<compile_context>
chip_gen: v7x
topology: tpu7x:2x2x1
jax: 0.10.2.dev20260603
libtpu: 0.0.44.dev20260713+nightly
codegen_flags: <defaults>
</compile_context>

<pallas_src>
import functools

import jax
import jax.numpy as jnp
from jax import lax
from jax.experimental import pallas as pl
from jax.experimental.pallas import tpu as pltpu
from jax.experimental.pallas import tpu_sc as plsc

N = 10000
E = 320000
D = 128
H = 128
L = 4
G = 64

NC = 2
NS = 16
NW = NC * NS
CHUNK = 128
EPW = E // NW
NCHUNK = (EPW + CHUNK - 1) // CHUNK
E_PAD = NW * NCHUNK * CHUNK
ROWS_PER_TILE = 632
N_ACC = NS * ROWS_PER_TILE

@functools.lru_cache(maxsize=1)
def _make_sc_scatter():
    mesh = plsc.VectorSubcoreMesh(core_axis_name="c", subcore_axis_name="s")

    @functools.partial(
        pl.kernel,
        mesh=mesh,
        out_type=jax.ShapeDtypeStruct((NC * N_ACC, H), jnp.float32),
        scratch_types=[
            pltpu.VMEM((NCHUNK, CHUNK), jnp.int32),
            pltpu.VMEM((NCHUNK, CHUNK), jnp.int32),
            pltpu.VMEM((CHUNK, H), jnp.float32),
            pltpu.VMEM_SHARED((N_ACC, H), jnp.float32),
            pltpu.SemaphoreType.DMA,
        ],
    )
    def _sc_scatter(m_hbm, src_hbm, dst_hbm, zeros_hbm, out_hbm,
                    src_v, dst_v, rows_v, acc_sh, sem):
        cid = lax.axis_index("c")
        sid = lax.axis_index("s")
        wid = sid * NC + cid
        pltpu.sync_copy(zeros_hbm,
                        acc_sh.at[pl.ds(sid * ROWS_PER_TILE, ROWS_PER_TILE)])
        pltpu.sync_copy(src_hbm.at[wid], src_v)
        pltpu.sync_copy(dst_hbm.at[wid], dst_v)
        plsc.subcore_barrier()

        def body(j, carry):
            pltpu.async_copy(m_hbm.at[src_v.at[j]], rows_v, sem).wait()
            pltpu.sync_copy(rows_v, acc_sh.at[dst_v.at[j]], add=True)
            return carry

        lax.fori_loop(0, NCHUNK, body, 0)
        plsc.subcore_barrier()
        pltpu.sync_copy(
            acc_sh.at[pl.ds(sid * ROWS_PER_TILE, ROWS_PER_TILE)],
            out_hbm.at[pl.ds(cid * N_ACC + sid * ROWS_PER_TILE, ROWS_PER_TILE)],
        )

    return _sc_scatter


def _dot_t(a, b):
    return lax.dot_general(a, b, (((1,), (1,)), ((), ())),
                           preferred_element_type=jnp.float32)


def _k1a_body(x_ref, w_in_ref, b_in_ref, y_ref):
    y_ref[...] = _dot_t(x_ref[...], w_in_ref[...]) + b_in_ref[...]


def _proj(x, W_in, b_in):
    return pl.pallas_call(
        _k1a_body,
        out_shape=jax.ShapeDtypeStruct((N, H), jnp.float32),
    )(x, W_in, b_in)


def _k1b_body(y_ref, mu_ref, var_ref, g1_ref, b1_ref, w0_ref, h_ref, m_ref):
    h = (g1_ref[...] * (y_ref[...] - mu_ref[...])
         / jnp.sqrt(var_ref[...] + 1e-5) + b1_ref[...])
    h = jnp.maximum(h, 0.0)
    h_ref[...] = h
    m_ref[...] = jnp.dot(h, w0_ref[...],
                         preferred_element_type=jnp.float32)


def _bn_relu_m(y, mu, var, g1, b1, w0):
    return pl.pallas_call(
        _k1b_body,
        out_shape=[jax.ShapeDtypeStruct((N, H), jnp.float32),
                   jax.ShapeDtypeStruct((N, H), jnp.float32)],
    )(y, mu, var, g1, b1, w0)


R = 2000
NBLK = N // R


_sigmoid = jax.nn.sigmoid
_tanh = jnp.tanh


def _gru_body(with_m, acc0_ref, acc1_ref, h_ref, wih_ref, whh_ref,
              bih_ref, bhh_ref, wnext_ref, h_out_ref, m_out_ref=None):
    h = h_ref[...]
    agg = acc0_ref[0] + acc1_ref[0]
    gi = _dot_t(agg, wih_ref[...]) + bih_ref[...]
    gh = _dot_t(h, whh_ref[...]) + bhh_ref[...]
    r = _sigmoid(gi[:, :H] + gh[:, :H])
    z = _sigmoid(gi[:, H:2 * H] + gh[:, H:2 * H])
    n = _tanh(gi[:, 2 * H:] + r * gh[:, 2 * H:])
    h_new = (1.0 - z) * n + z * h
    h_out_ref[...] = h_new
    if with_m:
        m_out_ref[...] = jnp.dot(h_new, wnext_ref[...],
                                       preferred_element_type=jnp.float32)


def _gru(acc, h, W_ih, W_hh, b_ih, b_hh, wnext, with_m):
    full = lambda shape: pl.BlockSpec(shape, lambda i: (0, 0))
    in_specs = [
        pl.BlockSpec((1, R, H), lambda i: (0, i, 0)),
        pl.BlockSpec((1, R, H), lambda i: (1, i, 0)),
        pl.BlockSpec((R, H), lambda i: (i, 0)),
        full((3 * H, H)), full((3 * H, H)),
        full((1, 3 * H)), full((1, 3 * H)),
        full((H, H)),
    ]
    out_shape = [jax.ShapeDtypeStruct((N, H), jnp.float32)]
    out_specs = [pl.BlockSpec((R, H), lambda i: (i, 0))]
    if with_m:
        out_shape.append(jax.ShapeDtypeStruct((N, H), jnp.float32))
        out_specs.append(pl.BlockSpec((R, H), lambda i: (i, 0)))
    acc3d = acc.reshape(NC, N_ACC, H)
    return pl.pallas_call(
        functools.partial(_gru_body, with_m),
        grid=(NBLK,),
        in_specs=in_specs,
        out_specs=out_specs,
        out_shape=out_shape,
    )(acc3d, acc3d, h, W_ih, W_hh, b_ih, b_hh, wnext)


def _k4a_body(h_ref, mu_ref, var_ref, skip_ref, g2_ref, b2_ref, batch_ref,
              wfc1_ref, bfc1_ref, o1_ref):
    hh = h_ref[...]
    h2 = (g2_ref[...] * (hh - mu_ref[...])
          / jnp.sqrt(var_ref[...] + 1e-5) + b2_ref[...])
    h2 = jnp.maximum(h2 + skip_ref[...], 0.0)
    onehot = (batch_ref[...] == lax.broadcasted_iota(jnp.int32, (N, G), 1)
              ).astype(jnp.float32)
    sums = lax.dot_general(onehot, h2, (((0,), (0,)), ((), ())),
                           preferred_element_type=jnp.float32)
    counts = jnp.sum(onehot, axis=0)[:, None]
    mean = sums / jnp.maximum(counts, 1.0)
    pooled = jnp.concatenate([mean, mean], axis=1)
    o1_ref[...] = _dot_t(pooled, wfc1_ref[...]) + bfc1_ref[...]


def _pool_fc1(h, mu, var, skip, g2, b2, batch2d, W_fc1, b_fc1):
    return pl.pallas_call(
        _k4a_body,
        out_shape=jax.ShapeDtypeStruct((G, H), jnp.float32),
    )(h, mu, var, skip, g2, b2, batch2d, W_fc1, b_fc1)


def _k4b_body(o1_ref, mu3_ref, var3_ref, g3_ref, b3_ref, wfc2_ref, bfc2_ref,
              o_ref):
    o2 = (g3_ref[...] * (o1_ref[...] - mu3_ref[...])
          / jnp.sqrt(var3_ref[...] + 1e-5) + b3_ref[...])
    o2 = jnp.maximum(o2, 0.0)
    o_ref[...] = _dot_t(o2, wfc2_ref[...]) + bfc2_ref[...]


def _fc2(o1, mu3, var3, g3, b3, W_fc2, b_fc2):
    return pl.pallas_call(
        _k4b_body,
        out_shape=jax.ShapeDtypeStruct((G, 2), jnp.float32),
    )(o1, mu3, var3, g3, b3, W_fc2, b_fc2)


def kernel(x, edge_index, batch, W_in, b_in, g1, b1, ggc_w, W_ih, W_hh,
           b_ih, b_hh, g2, b2, W_fc1, b_fc1, g3, b3, W_fc2, b_fc2):
    src = edge_index[0]
    dst = edge_index[1]
    order = jnp.argsort(dst, stable=True)
    src = src[order]
    dst = dst[order]
    pad = E_PAD - E
    src_f = jnp.concatenate([src, jnp.zeros((pad,), jnp.int32)])
    dst_f = jnp.concatenate([dst, jnp.full((pad,), N, jnp.int32)])
    nxt = jnp.concatenate([dst_f[1:], jnp.full((1,), -1, jnp.int32)])
    pos = jnp.arange(E_PAD, dtype=jnp.int32)
    epw = NCHUNK * CHUNK
    end_f = ((dst_f != nxt) | (pos % epw == epw - 1)).astype(jnp.int32)
    src_p = src_f.reshape(NW, NCHUNK, CHUNK)
    dst_p = dst_f.reshape(NW, NCHUNK, CHUNK)
    zeros = jnp.zeros((ROWS_PER_TILE, H), jnp.float32)
    b_in2 = b_in.reshape(1, H)
    g1_2, b1_2 = g1.reshape(1, H), b1.reshape(1, H)
    g2_2, b2_2 = g2.reshape(1, H), b2.reshape(1, H)
    g3_2, b3_2 = g3.reshape(1, H), b3.reshape(1, H)
    bih2 = b_ih.reshape(1, 3 * H)
    bhh2 = b_hh.reshape(1, 3 * H)
    bfc1_2 = b_fc1.reshape(1, H)
    bfc2_2 = b_fc2.reshape(1, 2)
    batch2d = batch.reshape(N, 1)

    y = _proj(x, W_in, b_in2)
    y_x = x @ W_in.T + b_in
    mu1 = jnp.mean(y_x, axis=0, keepdims=True)
    var1 = jnp.var(y_x, axis=0, keepdims=True)
    h, m = _bn_relu_m(y, mu1, var1, g1_2, b1_2, ggc_w[0])
    skip = h
    for i in range(L):
        acc = _make_sc_scatter()(m, src_p, dst_p, zeros)
        with_m = i < L - 1
        wnext = ggc_w[i + 1] if with_m else ggc_w[0]
        outs = _gru(acc, h, W_ih, W_hh, bih2, bhh2, wnext, with_m)
        if with_m:
            h, m = outs
        else:
            (h,) = outs
    mu2 = jnp.mean(h, axis=0, keepdims=True)
    var2 = jnp.var(h, axis=0, keepdims=True)
    o1 = _pool_fc1(h, mu2, var2, skip, g2_2, b2_2, batch2d, W_fc1, bfc1_2)
    mu3 = jnp.mean(o1, axis=0, keepdims=True)
    var3 = jnp.var(o1, axis=0, keepdims=True)
    return _fc2(o1, mu3, var3, g3_2, b3_2, W_fc2, bfc2_2)

# --- scband reference (transcript-rebuilt; emitter-appended) ---
"""Pipeline reference for scband-simple-balanced-model-15968688406724 (READ-ONLY COPY).

The authoritative reference and input builder live on the scoring server;
editing this copy changes nothing except your own understanding.
"""

import jax, jax.numpy as jnp
import numpy as np

N = 10000
E = 320000
D = 128
H = 128
L = 4
G = 64
OUT = 2


def _bn(x, gamma, beta):
    mu = jnp.mean(x, axis=0)
    var = jnp.var(x, axis=0)
    return gamma * (x - mu) / jnp.sqrt(var + 1e-5) + beta


def setup_inputs(seed: int = 0):
    key = jax.random.key(seed)
    ks = jax.random.split(key, 16)
    s = 0.05
    inp = {}
    inp["x"] = jax.random.normal(ks[0], (N, D), jnp.float32)
    inp["edge_index"] = jax.random.randint(ks[1], (2, E), 0, N, jnp.int32)
    inp["batch"] = jnp.sort(jax.random.randint(ks[2], (N,), 0, G, jnp.int32))
    inp["W_in"] = jax.random.normal(ks[3], (H, D), jnp.float32) * s
    inp["b_in"] = jnp.zeros((H,), jnp.float32)
    inp["g1"] = jnp.ones((H,), jnp.float32)
    inp["b1"] = jnp.zeros((H,), jnp.float32)
    inp["ggc_w"] = jax.random.normal(ks[4], (L, H, H), jnp.float32) * s
    inp["W_ih"] = jax.random.normal(ks[5], (3 * H, H), jnp.float32) * s
    inp["W_hh"] = jax.random.normal(ks[6], (3 * H, H), jnp.float32) * s
    inp["b_ih"] = jnp.zeros((3 * H,), jnp.float32)
    inp["b_hh"] = jnp.zeros((3 * H,), jnp.float32)
    inp["g2"] = jnp.ones((H,), jnp.float32)
    inp["b2"] = jnp.zeros((H,), jnp.float32)
    inp["W_fc1"] = jax.random.normal(ks[7], (H, 2 * H), jnp.float32) * s
    inp["b_fc1"] = jnp.zeros((H,), jnp.float32)
    inp["g3"] = jnp.ones((H,), jnp.float32)
    inp["b3"] = jnp.zeros((H,), jnp.float32)
    inp["W_fc2"] = jax.random.normal(ks[8], (OUT, H), jnp.float32) * s
    inp["b_fc2"] = jnp.zeros((OUT,), jnp.float32)
    return inp


def reference(x, edge_index, batch, W_in, b_in, g1, b1, ggc_w, W_ih, W_hh, b_ih, b_hh, g2, b2, W_fc1, b_fc1, g3, b3, W_fc2, b_fc2):
    # input projection + BN (training-mode batch stats) + ReLU; dropout p=0.0 is identity
    h = x @ W_in.T + b_in
    h = jax.nn.relu(_bn(h, g1, b1))
    skip = h
    src = edge_index[0]
    dst = edge_index[1]
    # GatedGraphConv, num_layers=L, aggr='add'
    for i in range(L):
        m = h @ ggc_w[i]
        agg = jnp.zeros_like(h).at[dst].add(m[src])
        # GRUCell(agg, h) with PyTorch gate ordering r, z, n
        gi = agg @ W_ih.T + b_ih
        gh = h @ W_hh.T + b_hh
        i_r, i_z, i_n = jnp.split(gi, 3, axis=1)
        h_r, h_z, h_n = jnp.split(gh, 3, axis=1)
        r = jax.nn.sigmoid(i_r + h_r)
        z = jax.nn.sigmoid(i_z + h_z)
        n = jnp.tanh(i_n + r * h_n)
        h = (1.0 - z) * n + z * h
    h = jax.nn.relu(_bn(h, g2, b2) + skip)
    # model calls global_mean_pool twice (both x_mean and x_max are mean pools)
    sums = jnp.zeros((G, H), h.dtype).at[batch].add(h)
    counts = jnp.zeros((G,), h.dtype).at[batch].add(1.0)
    mean = sums / jnp.maximum(counts, 1.0)[:, None]
    pooled = jnp.concatenate([mean, mean], axis=1)
    o = pooled @ W_fc1.T + b_fc1
    o = jax.nn.relu(_bn(o, g3, b3))
    o = o @ W_fc2.T + b_fc2
    return o

if __name__ == "__main__":
    import jax
    _d = setup_inputs()
    print(jax.jit(kernel)(*tuple(_d.values())))

</pallas_src>

<mosaic_0001>
#map = affine_map<(d0, d1) -> (0, 0)>
#map1 = affine_map<(d0, d1) -> (0, 0, 0)>
module attributes {stable_mosaic.version = 14 : i64} {
  func.func @_sc_scatter(%arg0: i32, %arg1: i32, %arg2: memref<10000x128xf32, #tpu.memory_space<hbm>>, %arg3: memref<32x79x128xi32, #tpu.memory_space<hbm>>, %arg4: memref<32x79x128xi32, #tpu.memory_space<hbm>>, %arg5: memref<632x128xf32, #tpu.memory_space<hbm>>, %arg6: memref<20224x128xf32, #tpu.memory_space<hbm>>, %arg7: memref<79x128xi32, #tpu.memory_space<vmem>>, %arg8: memref<79x128xi32, #tpu.memory_space<vmem>>, %arg9: memref<128x128xf32, #tpu.memory_space<vmem>>, %arg10: memref<10112x128xf32, #tpu.memory_space<vmem_shared>>, %arg11: memref<!tpu.dma_semaphore, #tpu.memory_space<semaphore_mem>>) attributes {dimension_semantics = [#tpu.dimension_semantics<core_parallel>, #tpu.dimension_semantics<subcore_parallel>], iteration_bounds = array<i64: 2, 16>, scalar_prefetch = 0 : i64, scratch_operands = 5 : i64, tpu.core_type = #tpu.core_type<sc_vector_subcore>, window_params = [{transform_indices = #map}, {transform_indices = #map1}, {transform_indices = #map1}, {transform_indices = #map}, {transform_indices = #map}]} {
    %mul3A = arith.constant 2 : i32
    %mul3A_0 = arith.muli %arg1, %mul3A : i32
    %add3A = arith.addi %mul3A_0, %arg0 : i32
    %mul3A_1 = arith.constant 632 : i32
    %mul3A_2 = arith.muli %arg1, %mul3A_1 : i32
    "tpu.region"() ({
      %run_scoped3A = tpu.sem_alloc : memref<!tpu.dma_semaphore, #tpu.memory_space<semaphore_mem>>
      %dma_start3A = arith.constant 0 : i32
      %dma_start3A_16 = tpu.memref_slice %arg10[%mul3A_2, %dma_start3A] : memref<10112x128xf32, #tpu.memory_space<vmem_shared>> -> memref<632x128xf32, #tpu.memory_space<vmem_shared>>
      tpu.enqueue_dma source(%arg5 : memref<632x128xf32, #tpu.memory_space<hbm>>) target(%dma_start3A_16 : memref<632x128xf32, #tpu.memory_space<vmem_shared>>) target_semaphore(%run_scoped3A : memref<!tpu.dma_semaphore, #tpu.memory_space<semaphore_mem>>)
      %dma_wait3A = arith.constant 0 : i32
      %dma_wait3A_17 = tpu.memref_slice %arg10[%mul3A_2, %dma_wait3A] : memref<10112x128xf32, #tpu.memory_space<vmem_shared>> -> memref<632x128xf32, #tpu.memory_space<vmem_shared>>
      tpu.wait_dma2 semaphore(%run_scoped3A : memref<!tpu.dma_semaphore, #tpu.memory_space<semaphore_mem>>) src(%arg5 : memref<632x128xf32, #tpu.memory_space<hbm>>) dst(%dma_wait3A_17 : memref<632x128xf32, #tpu.memory_space<vmem_shared>>)
      tpu.yield
    }) : () -> ()
    "tpu.region"() ({
      %run_scoped3A = tpu.sem_alloc : memref<!tpu.dma_semaphore, #tpu.memory_space<semaphore_mem>>
      %dma_start3A = arith.constant 0 : i32
      %dma_start3A_16 = arith.constant 0 : i32
      %dma_start3A_17 = tpu.memref_slice %arg3[%add3A, %dma_start3A, %dma_start3A_16] : memref<32x79x128xi32, #tpu.memory_space<hbm>> -> memref<1x79x128xi32, #tpu.memory_space<hbm>>
      %dma_start3A_18 = tpu.memref_squeeze %dma_start3A_17 : memref<1x79x128xi32, #tpu.memory_space<hbm>> -> memref<79x128xi32, #tpu.memory_space<hbm>>
      %dma_start3A_19 = arith.constant 0 : i32
      %dma_start3A_20 = arith.constant 0 : i32
      %dma_start3A_21 = tpu.memref_slice %arg3[%add3A, %dma_start3A_19, %dma_start3A_20] : memref<32x79x128xi32, #tpu.memory_space<hbm>> -> memref<1x79x128xi32, #tpu.memory_space<hbm>>
      %dma_start3A_22 = tpu.memref_squeeze %dma_start3A_21 : memref<1x79x128xi32, #tpu.memory_space<hbm>> -> memref<79x128xi32, #tpu.memory_space<hbm>>
      tpu.enqueue_dma source(%dma_start3A_22 : memref<79x128xi32, #tpu.memory_space<hbm>>) target(%arg7 : memref<79x128xi32, #tpu.memory_space<vmem>>) target_semaphore(%run_scoped3A : memref<!tpu.dma_semaphore, #tpu.memory_space<semaphore_mem>>)
      %dma_wait3A = arith.constant 0 : i32
      %dma_wait3A_23 = arith.constant 0 : i32
      %dma_wait3A_24 = tpu.memref_slice %arg3[%add3A, %dma_wait3A, %dma_wait3A_23] : memref<32x79x128xi32, #tpu.memory_space<hbm>> -> memref<1x79x128xi32, #tpu.memory_space<hbm>>
      %dma_wait3A_25 = tpu.memref_squeeze %dma_wait3A_24 : memref<1x79x128xi32, #tpu.memory_space<hbm>> -> memref<79x128xi32, #tpu.memory_space<hbm>>
      %dma_wait3A_26 = arith.constant 0 : i32
      %dma_wait3A_27 = arith.constant 0 : i32
      %dma_wait3A_28 = tpu.memref_slice %arg3[%add3A, %dma_wait3A_26, %dma_wait3A_27] : memref<32x79x128xi32, #tpu.memory_space<hbm>> -> memref<1x79x128xi32, #tpu.memory_space<hbm>>
      %dma_wait3A_29 = tpu.memref_squeeze %dma_wait3A_28 : memref<1x79x128xi32, #tpu.memory_space<hbm>> -> memref<79x128xi32, #tpu.memory_space<hbm>>
      tpu.wait_dma2 semaphore(%run_scoped3A : memref<!tpu.dma_semaphore, #tpu.memory_space<semaphore_mem>>) src(%dma_wait3A_29 : memref<79x128xi32, #tpu.memory_space<hbm>>) dst(%arg7 : memref<79x128xi32, #tpu.memory_space<vmem>>)
      tpu.yield
    }) : () -> ()
    "tpu.region"() ({
      %run_scoped3A = tpu.sem_alloc : memref<!tpu.dma_semaphore, #tpu.memory_space<semaphore_mem>>
      %dma_start3A = arith.constant 0 : i32
      %dma_start3A_16 = arith.constant 0 : i32
      %dma_start3A_17 = tpu.memref_slice %arg4[%add3A, %dma_start3A, %dma_start3A_16] : memref<32x79x128xi32, #tpu.memory_space<hbm>> -> memref<1x79x128xi32, #tpu.memory_space<hbm>>
      %dma_start3A_18 = tpu.memref_squeeze %dma_start3A_17 : memref<1x79x128xi32, #tpu.memory_space<hbm>> -> memref<79x128xi32, #tpu.memory_space<hbm>>
      %dma_start3A_19 = arith.constant 0 : i32
      %dma_start3A_20 = arith.constant 0 : i32
      %dma_start3A_21 = tpu.memref_slice %arg4[%add3A, %dma_start3A_19, %dma_start3A_20] : memref<32x79x128xi32, #tpu.memory_space<hbm>> -> memref<1x79x128xi32, #tpu.memory_space<hbm>>
      %dma_start3A_22 = tpu.memref_squeeze %dma_start3A_21 : memref<1x79x128xi32, #tpu.memory_space<hbm>> -> memref<79x128xi32, #tpu.memory_space<hbm>>
      tpu.enqueue_dma source(%dma_start3A_22 : memref<79x128xi32, #tpu.memory_space<hbm>>) target(%arg8 : memref<79x128xi32, #tpu.memory_space<vmem>>) target_semaphore(%run_scoped3A : memref<!tpu.dma_semaphore, #tpu.memory_space<semaphore_mem>>)
      %dma_wait3A = arith.constant 0 : i32
      %dma_wait3A_23 = arith.constant 0 : i32
      %dma_wait3A_24 = tpu.memref_slice %arg4[%add3A, %dma_wait3A, %dma_wait3A_23] : memref<32x79x128xi32, #tpu.memory_space<hbm>> -> memref<1x79x128xi32, #tpu.memory_space<hbm>>
      %dma_wait3A_25 = tpu.memref_squeeze %dma_wait3A_24 : memref<1x79x128xi32, #tpu.memory_space<hbm>> -> memref<79x128xi32, #tpu.memory_space<hbm>>
      %dma_wait3A_26 = arith.constant 0 : i32
      %dma_wait3A_27 = arith.constant 0 : i32
      %dma_wait3A_28 = tpu.memref_slice %arg4[%add3A, %dma_wait3A_26, %dma_wait3A_27] : memref<32x79x128xi32, #tpu.memory_space<hbm>> -> memref<1x79x128xi32, #tpu.memory_space<hbm>>
      %dma_wait3A_29 = tpu.memref_squeeze %dma_wait3A_28 : memref<1x79x128xi32, #tpu.memory_space<hbm>> -> memref<79x128xi32, #tpu.memory_space<hbm>>
      tpu.wait_dma2 semaphore(%run_scoped3A : memref<!tpu.dma_semaphore, #tpu.memory_space<semaphore_mem>>) src(%dma_wait3A_29 : memref<79x128xi32, #tpu.memory_space<hbm>>) dst(%arg8 : memref<79x128xi32, #tpu.memory_space<vmem>>)
      tpu.yield
    }) : () -> ()
    %barrier3A = arith.constant 0 : index
    tpu.barrier barrier_id(%barrier3A)
    %scan3A = arith.constant 0 : i32
    %scan3A_3 = arith.constant 0 : i32
    %scan3A_4 = arith.constant 79 : i32
    %scan3A_5 = arith.addi %scan3A_3, %scan3A_4 : i32
    %scan3A_6 = arith.constant 1 : i32
    scf.for %scan3A_16 = %scan3A_3 to %scan3A_5 step %scan3A_6  : i32 {
      %dma_start3A = arith.constant 0 : i32
      %dma_start3A_17 = tpu.memref_slice %arg7[%scan3A_16, %dma_start3A] : memref<79x128xi32, #tpu.memory_space<vmem>> -> memref<1x128xi32, #tpu.memory_space<vmem>>
      %dma_start3A_18 = tpu.memref_squeeze %dma_start3A_17 : memref<1x128xi32, #tpu.memory_space<vmem>> -> memref<128xi32, #tpu.memory_space<vmem>>
      %dma_start3A_19 = arith.constant 0 : i32
      %dma_start3A_20 = arith.constant 0 : i32
      %dma_start3A_21 = tpu.memref_slice %arg2[%dma_start3A_19, %dma_start3A_20] : memref<10000x128xf32, #tpu.memory_space<hbm>> -> memref<10000x128xf32, #tpu.memory_space<hbm>>
      tpu.enqueue_indirect_dma source(%dma_start3A_21 : memref<10000x128xf32, #tpu.memory_space<hbm>>) target(%arg9 : memref<128x128xf32, #tpu.memory_space<vmem>>) offsets(%dma_start3A_18 : memref<128xi32, #tpu.memory_space<vmem>>) semaphore(%arg11 : memref<!tpu.dma_semaphore, #tpu.memory_space<semaphore_mem>>)
      %dma_wait3A = arith.constant 0 : i32
      %dma_wait3A_22 = tpu.memref_slice %arg7[%scan3A_16, %dma_wait3A] : memref<79x128xi32, #tpu.memory_space<vmem>> -> memref<1x128xi32, #tpu.memory_space<vmem>>
      %dma_wait3A_23 = tpu.memref_squeeze %dma_wait3A_22 : memref<1x128xi32, #tpu.memory_space<vmem>> -> memref<128xi32, #tpu.memory_space<vmem>>
      %dma_wait3A_24 = arith.constant 0 : i32
      %dma_wait3A_25 = arith.constant 0 : i32
      %dma_wait3A_26 = tpu.memref_slice %arg2[%dma_wait3A_24, %dma_wait3A_25] : memref<10000x128xf32, #tpu.memory_space<hbm>> -> memref<10000x128xf32, #tpu.memory_space<hbm>>
      tpu.wait_indirect_dma semaphore(%arg11 : memref<!tpu.dma_semaphore, #tpu.memory_space<semaphore_mem>>) src(%dma_wait3A_26 : memref<10000x128xf32, #tpu.memory_space<hbm>>) dst(%arg9 : memref<128x128xf32, #tpu.memory_space<vmem>>)
      "tpu.region"() ({
        %run_scoped3A = tpu.sem_alloc : memref<!tpu.dma_semaphore, #tpu.memory_space<semaphore_mem>>
        %dma_start3A_27 = arith.constant 0 : i32
        %dma_start3A_28 = tpu.memref_slice %arg8[%scan3A_16, %dma_start3A_27] : memref<79x128xi32, #tpu.memory_space<vmem>> -> memref<1x128xi32, #tpu.memory_space<vmem>>
        %dma_start3A_29 = tpu.memref_squeeze %dma_start3A_28 : memref<1x128xi32, #tpu.memory_space<vmem>> -> memref<128xi32, #tpu.memory_space<vmem>>
        %dma_start3A_30 = arith.constant 0 : i32
        %dma_start3A_31 = arith.constant 0 : i32
        %dma_start3A_32 = tpu.memref_slice %arg10[%dma_start3A_30, %dma_start3A_31] : memref<10112x128xf32, #tpu.memory_space<vmem_shared>> -> memref<10112x128xf32, #tpu.memory_space<vmem_shared>>
        tpu.enqueue_indirect_dma source(%arg9 : memref<128x128xf32, #tpu.memory_space<vmem>>) target(%dma_start3A_32 : memref<10112x128xf32, #tpu.memory_space<vmem_shared>>) offsets(%dma_start3A_29 : memref<128xi32, #tpu.memory_space<vmem>>) semaphore(%run_scoped3A : memref<!tpu.dma_semaphore, #tpu.memory_space<semaphore_mem>>) {add = true}
        %dma_wait3A_33 = arith.constant 0 : i32
        %dma_wait3A_34 = tpu.memref_slice %arg8[%scan3A_16, %dma_wait3A_33] : memref<79x128xi32, #tpu.memory_space<vmem>> -> memref<1x128xi32, #tpu.memory_space<vmem>>
        %dma_wait3A_35 = tpu.memref_squeeze %dma_wait3A_34 : memref<1x128xi32, #tpu.memory_space<vmem>> -> memref<128xi32, #tpu.memory_space<vmem>>
        %dma_wait3A_36 = arith.constant 0 : i32
        %dma_wait3A_37 = arith.constant 0 : i32
        %dma_wait3A_38 = tpu.memref_slice %arg10[%dma_wait3A_36, %dma_wait3A_37] : memref<10112x128xf32, #tpu.memory_space<vmem_shared>> -> memref<10112x128xf32, #tpu.memory_space<vmem_shared>>
        tpu.wait_indirect_dma semaphore(%run_scoped3A : memref<!tpu.dma_semaphore, #tpu.memory_space<semaphore_mem>>) src(%arg9 : memref<128x128xf32, #tpu.memory_space<vmem>>) dst(%dma_wait3A_38 : memref<10112x128xf32, #tpu.memory_space<vmem_shared>>)
        tpu.yield
      }) : () -> ()
    }
    %scan3A_7 = arith.constant 79 : i32
    %barrier3A_8 = arith.constant 0 : index
    tpu.barrier barrier_id(%barrier3A_8)
    %mul3A_9 = arith.constant 632 : i32
    %mul3A_10 = arith.muli %arg1, %mul3A_9 : i32
    %mul3A_11 = arith.constant 10112 : i32
    %mul3A_12 = arith.muli %arg0, %mul3A_11 : i32
    %mul3A_13 = arith.constant 632 : i32
    %mul3A_14 = arith.muli %arg1, %mul3A_13 : i32
    %add3A_15 = arith.addi %mul3A_12, %mul3A_14 : i32
    "tpu.region"() ({
      %run_scoped3A = tpu.sem_alloc : memref<!tpu.dma_semaphore, #tpu.memory_space<semaphore_mem>>
      %dma_start3A = arith.constant 0 : i32
      %dma_start3A_16 = tpu.memref_slice %arg6[%add3A_15, %dma_start3A] : memref<20224x128xf32, #tpu.memory_space<hbm>> -> memref<632x128xf32, #tpu.memory_space<hbm>>
      %dma_start3A_17 = arith.constant 0 : i32
      %dma_start3A_18 = tpu.memref_slice %arg10[%mul3A_10, %dma_start3A_17] : memref<10112x128xf32, #tpu.memory_space<vmem_shared>> -> memref<632x128xf32, #tpu.memory_space<vmem_shared>>
      tpu.enqueue_dma source(%dma_start3A_18 : memref<632x128xf32, #tpu.memory_space<vmem_shared>>) target(%dma_start3A_16 : memref<632x128xf32, #tpu.memory_space<hbm>>) target_semaphore(%run_scoped3A : memref<!tpu.dma_semaphore, #tpu.memory_space<semaphore_mem>>)
      %dma_wait3A = arith.constant 0 : i32
      %dma_wait3A_19 = tpu.memref_slice %arg6[%add3A_15, %dma_wait3A] : memref<20224x128xf32, #tpu.memory_space<hbm>> -> memref<632x128xf32, #tpu.memory_space<hbm>>
      %dma_wait3A_20 = arith.constant 0 : i32
      %dma_wait3A_21 = tpu.memref_slice %arg10[%mul3A_10, %dma_wait3A_20] : memref<10112x128xf32, #tpu.memory_space<vmem_shared>> -> memref<632x128xf32, #tpu.memory_space<vmem_shared>>
      tpu.wait_dma2 semaphore(%run_scoped3A : memref<!tpu.dma_semaphore, #tpu.memory_space<semaphore_mem>>) src(%dma_wait3A_21 : memref<632x128xf32, #tpu.memory_space<vmem_shared>>) dst(%dma_wait3A_19 : memref<632x128xf32, #tpu.memory_space<hbm>>)
      tpu.yield
    }) : () -> ()
    return
  }
}

#map = affine_map<(d0, d1) -> (0, 0)>
#map1 = affine_map<(d0, d1) -> (0, 0, 0)>
module attributes {stable_mosaic.version = 14 : i64} {
  func.func @_sc_scatter(%arg0: i32, %arg1: i32, %arg2: memref<10000x128xf32, #tpu.memory_space<hbm>>, %arg3: memref<32x79x128xi32, #tpu.memory_space<hbm>>, %arg4: memref<32x79x128xi32, #tpu.memory_space<hbm>>, %arg5: memref<632x128xf32, #tpu.memory_space<hbm>>, %arg6: memref<20224x128xf32, #tpu.memory_space<hbm>>, %arg7: memref<79x128xi32, #tpu.memory_space<vmem>>, %arg8: memref<79x128xi32, #tpu.memory_space<vmem>>, %arg9: memref<128x128xf32, #tpu.memory_space<vmem>>, %arg10: memref<10112x128xf32, #tpu.memory_space<vmem_shared>>, %arg11: memref<!tpu.dma_semaphore, #tpu.memory_space<semaphore_mem>>) attributes {dimension_semantics = [#tpu.dimension_semantics<core_parallel>, #tpu.dimension_semantics<subcore_parallel>], iteration_bounds = array<i64: 2, 16>, scalar_prefetch = 0 : i64, scratch_operands = 5 : i64, tpu.core_type = #tpu.core_type<sc_vector_subcore>, window_params = [{transform_indices = #map}, {transform_indices = #map1}, {transform_indices = #map1}, {transform_indices = #map}, {transform_indices = #map}]} {
    %mul3A = arith.constant 2 : i32
    %mul3A_0 = arith.muli %arg1, %mul3A : i32
    %add3A = arith.addi %mul3A_0, %arg0 : i32
    %mul3A_1 = arith.constant 632 : i32
    %mul3A_2 = arith.muli %arg1, %mul3A_1 : i32
    "tpu.region"() ({
      %run_scoped3A = tpu.sem_alloc : memref<!tpu.dma_semaphore, #tpu.memory_space<semaphore_mem>>
      %dma_start3A = arith.constant 0 : i32
      %dma_start3A_16 = tpu.memref_slice %arg10[%mul3A_2, %dma_start3A] : memref<10112x128xf32, #tpu.memory_space<vmem_shared>> -> memref<632x128xf32, #tpu.memory_space<vmem_shared>>
      tpu.enqueue_dma source(%arg5 : memref<632x128xf32, #tpu.memory_space<hbm>>) target(%dma_start3A_16 : memref<632x128xf32, #tpu.memory_space<vmem_shared>>) target_semaphore(%run_scoped3A : memref<!tpu.dma_semaphore, #tpu.memory_space<semaphore_mem>>)
      %dma_wait3A = arith.constant 0 : i32
      %dma_wait3A_17 = tpu.memref_slice %arg10[%mul3A_2, %dma_wait3A] : memref<10112x128xf32, #tpu.memory_space<vmem_shared>> -> memref<632x128xf32, #tpu.memory_space<vmem_shared>>
      tpu.wait_dma2 semaphore(%run_scoped3A : memref<!tpu.dma_semaphore, #tpu.memory_space<semaphore_mem>>) src(%arg5 : memref<632x128xf32, #tpu.memory_space<hbm>>) dst(%dma_wait3A_17 : memref<632x128xf32, #tpu.memory_space<vmem_shared>>)
      tpu.yield
    }) : () -> ()
    "tpu.region"() ({
      %run_scoped3A = tpu.sem_alloc : memref<!tpu.dma_semaphore, #tpu.memory_space<semaphore_mem>>
      %dma_start3A = arith.constant 0 : i32
      %dma_start3A_16 = arith.constant 0 : i32
      %dma_start3A_17 = tpu.memref_slice %arg3[%add3A, %dma_start3A, %dma_start3A_16] : memref<32x79x128xi32, #tpu.memory_space<hbm>> -> memref<1x79x128xi32, #tpu.memory_space<hbm>>
      %dma_start3A_18 = tpu.memref_squeeze %dma_start3A_17 : memref<1x79x128xi32, #tpu.memory_space<hbm>> -> memref<79x128xi32, #tpu.memory_space<hbm>>
      %dma_start3A_19 = arith.constant 0 : i32
      %dma_start3A_20 = arith.constant 0 : i32
      %dma_start3A_21 = tpu.memref_slice %arg3[%add3A, %dma_start3A_19, %dma_start3A_20] : memref<32x79x128xi32, #tpu.memory_space<hbm>> -> memref<1x79x128xi32, #tpu.memory_space<hbm>>
      %dma_start3A_22 = tpu.memref_squeeze %dma_start3A_21 : memref<1x79x128xi32, #tpu.memory_space<hbm>> -> memref<79x128xi32, #tpu.memory_space<hbm>>
      tpu.enqueue_dma source(%dma_start3A_22 : memref<79x128xi32, #tpu.memory_space<hbm>>) target(%arg7 : memref<79x128xi32, #tpu.memory_space<vmem>>) target_semaphore(%run_scoped3A : memref<!tpu.dma_semaphore, #tpu.memory_space<semaphore_mem>>)
      %dma_wait3A = arith.constant 0 : i32
      %dma_wait3A_23 = arith.constant 0 : i32
      %dma_wait3A_24 = tpu.memref_slice %arg3[%add3A, %dma_wait3A, %dma_wait3A_23] : memref<32x79x128xi32, #tpu.memory_space<hbm>> -> memref<1x79x128xi32, #tpu.memory_space<hbm>>
      %dma_wait3A_25 = tpu.memref_squeeze %dma_wait3A_24 : memref<1x79x128xi32, #tpu.memory_space<hbm>> -> memref<79x128xi32, #tpu.memory_space<hbm>>
      %dma_wait3A_26 = arith.constant 0 : i32
      %dma_wait3A_27 = arith.constant 0 : i32
      %dma_wait3A_28 = tpu.memref_slice %arg3[%add3A, %dma_wait3A_26, %dma_wait3A_27] : memref<32x79x128xi32, #tpu.memory_space<hbm>> -> memref<1x79x128xi32, #tpu.memory_space<hbm>>
      %dma_wait3A_29 = tpu.memref_squeeze %dma_wait3A_28 : memref<1x79x128xi32, #tpu.memory_space<hbm>> -> memref<79x128xi32, #tpu.memory_space<hbm>>
      tpu.wait_dma2 semaphore(%run_scoped3A : memref<!tpu.dma_semaphore, #tpu.memory_space<semaphore_mem>>) src(%dma_wait3A_29 : memref<79x128xi32, #tpu.memory_space<hbm>>) dst(%arg7 : memref<79x128xi32, #tpu.memory_space<vmem>>)
      tpu.yield
    }) : () -> ()
    "tpu.region"() ({
      %run_scoped3A = tpu.sem_alloc : memref<!tpu.dma_semaphore, #tpu.memory_space<semaphore_mem>>
      %dma_start3A = arith.constant 0 : i32
      %dma_start3A_16 = arith.constant 0 : i32
      %dma_start3A_17 = tpu.memref_slice %arg4[%add3A, %dma_start3A, %dma_start3A_16] : memref<32x79x128xi32, #tpu.memory_space<hbm>> -> memref<1x79x128xi32, #tpu.memory_space<hbm>>
      %dma_start3A_18 = tpu.memref_squeeze %dma_start3A_17 : memref<1x79x128xi32, #tpu.memory_space<hbm>> -> memref<79x128xi32, #tpu.memory_space<hbm>>
      %dma_start3A_19 = arith.constant 0 : i32
      %dma_start3A_20 = arith.constant 0 : i32
      %dma_start3A_21 = tpu.memref_slice %arg4[%add3A, %dma_start3A_19, %dma_start3A_20] : memref<32x79x128xi32, #tpu.memory_space<hbm>> -> memref<1x79x128xi32, #tpu.memory_space<hbm>>
      %dma_start3A_22 = tpu.memref_squeeze %dma_start3A_21 : memref<1x79x128xi32, #tpu.memory_space<hbm>> -> memref<79x128xi32, #tpu.memory_space<hbm>>
      tpu.enqueue_dma source(%dma_start3A_22 : memref<79x128xi32, #tpu.memory_space<hbm>>) target(%arg8 : memref<79x128xi32, #tpu.memory_space<vmem>>) target_semaphore(%run_scoped3A : memref<!tpu.dma_semaphore, #tpu.memory_space<semaphore_mem>>)
      %dma_wait3A = arith.constant 0 : i32
      %dma_wait3A_23 = arith.constant 0 : i32
      %dma_wait3A_24 = tpu.memref_slice %arg4[%add3A, %dma_wait3A, %dma_wait3A_23] : memref<32x79x128xi32, #tpu.memory_space<hbm>> -> memref<1x79x128xi32, #tpu.memory_space<hbm>>
      %dma_wait3A_25 = tpu.memref_squeeze %dma_wait3A_24 : memref<1x79x128xi32, #tpu.memory_space<hbm>> -> memref<79x128xi32, #tpu.memory_space<hbm>>
      %dma_wait3A_26 = arith.constant 0 : i32
      %dma_wait3A_27 = arith.constant 0 : i32
      %dma_wait3A_28 = tpu.memref_slice %arg4[%add3A, %dma_wait3A_26, %dma_wait3A_27] : memref<32x79x128xi32, #tpu.memory_space<hbm>> -> memref<1x79x128xi32, #tpu.memory_space<hbm>>
      %dma_wait3A_29 = tpu.memref_squeeze %dma_wait3A_28 : memref<1x79x128xi32, #tpu.memory_space<hbm>> -> memref<79x128xi32, #tpu.memory_space<hbm>>
      tpu.wait_dma2 semaphore(%run_scoped3A : memref<!tpu.dma_semaphore, #tpu.memory_space<semaphore_mem>>) src(%dma_wait3A_29 : memref<79x128xi32, #tpu.memory_space<hbm>>) dst(%arg8 : memref<79x128xi32, #tpu.memory_space<vmem>>)
      tpu.yield
    }) : () -> ()
    %barrier3A = arith.constant 0 : index
    tpu.barrier barrier_id(%barrier3A)
    %scan3A = arith.constant 0 : i32
    %scan3A_3 = arith.constant 0 : i32
    %scan3A_4 = arith.constant 79 : i32
    %scan3A_5 = arith.addi %scan3A_3, %scan3A_4 : i32
    %scan3A_6 = arith.constant 1 : i32
    scf.for %scan3A_16 = %scan3A_3 to %scan3A_5 step %scan3A_6  : i32 {
      %dma_start3A = arith.constant 0 : i32
      %dma_start3A_17 = tpu.memref_slice %arg7[%scan3A_16, %dma_start3A] : memref<79x128xi32, #tpu.memory_space<vmem>> -> memref<1x128xi32, #tpu.memory_space<vmem>>
      %dma_start3A_18 = tpu.memref_squeeze %dma_start3A_17 : memref<1x128xi32, #tpu.memory_space<vmem>> -> memref<128xi32, #tpu.memory_space<vmem>>
      %dma_start3A_19 = arith.constant 0 : i32
      %dma_start3A_20 = arith.constant 0 : i32
      %dma_start3A_21 = tpu.memref_slice %arg2[%dma_start3A_19, %dma_start3A_20] : memref<10000x128xf32, #tpu.memory_space<hbm>> -> memref<10000x128xf32, #tpu.memory_space<hbm>>
      tpu.enqueue_indirect_dma source(%dma_start3A_21 : memref<10000x128xf32, #tpu.memory_space<hbm>>) target(%arg9 : memref<128x128xf32, #tpu.memory_space<vmem>>) offsets(%dma_start3A_18 : memref<128xi32, #tpu.memory_space<vmem>>) semaphore(%arg11 : memref<!tpu.dma_semaphore, #tpu.memory_space<semaphore_mem>>)
      %dma_wait3A = arith.constant 0 : i32
      %dma_wait3A_22 = tpu.memref_slice %arg7[%scan3A_16, %dma_wait3A] : memref<79x128xi32, #tpu.memory_space<vmem>> -> memref<1x128xi32, #tpu.memory_space<vmem>>
      %dma_wait3A_23 = tpu.memref_squeeze %dma_wait3A_22 : memref<1x128xi32, #tpu.memory_space<vmem>> -> memref<128xi32, #tpu.memory_space<vmem>>
      %dma_wait3A_24 = arith.constant 0 : i32
      %dma_wait3A_25 = arith.constant 0 : i32
      %dma_wait3A_26 = tpu.memref_slice %arg2[%dma_wait3A_24, %dma_wait3A_25] : memref<10000x128xf32, #tpu.memory_space<hbm>> -> memref<10000x128xf32, #tpu.memory_space<hbm>>
      tpu.wait_indirect_dma semaphore(%arg11 : memref<!tpu.dma_semaphore, #tpu.memory_space<semaphore_mem>>) src(%dma_wait3A_26 : memref<10000x128xf32, #tpu.memory_space<hbm>>) dst(%arg9 : memref<128x128xf32, #tpu.memory_space<vmem>>)
      "tpu.region"() ({
        %run_scoped3A = tpu.sem_alloc : memref<!tpu.dma_semaphore, #tpu.memory_space<semaphore_mem>>
        %dma_start3A_27 = arith.constant 0 : i32
        %dma_start3A_28 = tpu.memref_slice %arg8[%scan3A_16, %dma_start3A_27] : memref<79x128xi32, #tpu.memory_space<vmem>> -> memref<1x128xi32, #tpu.memory_space<vmem>>
        %dma_start3A_29 = tpu.memref_squeeze %dma_start3A_28 : memref<1x128xi32, #tpu.memory_space<vmem>> -> memref<128xi32, #tpu.memory_space<vmem>>
        %dma_start3A_30 = arith.constant 0 : i32
        %dma_start3A_31 = arith.constant 0 : i32
        %dma_start3A_32 = tpu.memref_slice %arg10[%dma_start3A_30, %dma_start3A_31] : memref<10112x128xf32, #tpu.memory_space<vmem_shared>> -> memref<10112x128xf32, #tpu.memory_space<vmem_shared>>
        tpu.enqueue_indirect_dma source(%arg9 : memref<128x128xf32, #tpu.memory_space<vmem>>) target(%dma_start3A_32 : memref<10112x128xf32, #tpu.memory_space<vmem_shared>>) offsets(%dma_start3A_29 : memref<128xi32, #tpu.memory_space<vmem>>) semaphore(%run_scoped3A : memref<!tpu.dma_semaphore, #tpu.memory_space<semaphore_mem>>) {add = true}
        %dma_wait3A_33 = arith.constant 0 : i32
        %dma_wait3A_34 = tpu.memref_slice %arg8[%scan3A_16, %dma_wait3A_33] : memref<79x128xi32, #tpu.memory_space<vmem>> -> memref<1x128xi32, #tpu.memory_space<vmem>>
        %dma_wait3A_35 = tpu.memref_squeeze %dma_wait3A_34 : memref<1x128xi32, #tpu.memory_space<vmem>> -> memref<128xi32, #tpu.memory_space<vmem>>
        %dma_wait3A_36 = arith.constant 0 : i32
        %dma_wait3A_37 = arith.constant 0 : i32
        %dma_wait3A_38 = tpu.memref_slice %arg10[%dma_wait3A_36, %dma_wait3A_37] : memref<10112x128xf32, #tpu.memory_space<vmem_shared>> -> memref<10112x128xf32, #tpu.memory_space<vmem_shared>>
        tpu.wait_indirect_dma semaphore(%run_scoped3A : memref<!tpu.dma_semaphore, #tpu.memory_space<semaphore_mem>>) src(%arg9 : memref<128x128xf32, #tpu.memory_space<vmem>>) dst(%dma_wait3A_38 : memref<10112x128xf32, #tpu.memory_space<vmem_shared>>)
        tpu.yield
      }) : () -> ()
    }
    %scan3A_7 = arith.constant 79 : i32
    %barrier3A_8 = arith.constant 0 : index
    tpu.barrier barrier_id(%barrier3A_8)
    %mul3A_9 = arith.constant 632 : i32
    %mul3A_10 = arith.muli %arg1, %mul3A_9 : i32
    %mul3A_11 = arith.constant 10112 : i32
    %mul3A_12 = arith.muli %arg0, %mul3A_11 : i32
    %mul3A_13 = arith.constant 632 : i32
    %mul3A_14 = arith.muli %arg1, %mul3A_13 : i32
    %add3A_15 = arith.addi %mul3A_12, %mul3A_14 : i32
    "tpu.region"() ({
      %run_scoped3A = tpu.sem_alloc : memref<!tpu.dma_semaphore, #tpu.memory_space<semaphore_mem>>
      %dma_start3A = arith.constant 0 : i32
      %dma_start3A_16 = tpu.memref_slice %arg6[%add3A_15, %dma_start3A] : memref<20224x128xf32, #tpu.memory_space<hbm>> -> memref<632x128xf32, #tpu.memory_space<hbm>>
      %dma_start3A_17 = arith.constant 0 : i32
      %dma_start3A_18 = tpu.memref_slice %arg10[%mul3A_10, %dma_start3A_17] : memref<10112x128xf32, #tpu.memory_space<vmem_shared>> -> memref<632x128xf32, #tpu.memory_space<vmem_shared>>
      tpu.enqueue_dma source(%dma_start3A_18 : memref<632x128xf32, #tpu.memory_space<vmem_shared>>) target(%dma_start3A_16 : memref<632x128xf32, #tpu.memory_space<hbm>>) target_semaphore(%run_scoped3A : memref<!tpu.dma_semaphore, #tpu.memory_space<semaphore_mem>>)
      %dma_wait3A = arith.constant 0 : i32
      %dma_wait3A_19 = tpu.memref_slice %arg6[%add3A_15, %dma_wait3A] : memref<20224x128xf32, #tpu.memory_space<hbm>> -> memref<632x128xf32, #tpu.memory_space<hbm>>
      %dma_wait3A_20 = arith.constant 0 : i32
      %dma_wait3A_21 = tpu.memref_slice %arg10[%mul3A_10, %dma_wait3A_20] : memref<10112x128xf32, #tpu.memory_space<vmem_shared>> -> memref<632x128xf32, #tpu.memory_space<vmem_shared>>
      tpu.wait_dma2 semaphore(%run_scoped3A : memref<!tpu.dma_semaphore, #tpu.memory_space<semaphore_mem>>) src(%dma_wait3A_21 : memref<632x128xf32, #tpu.memory_space<vmem_shared>>) dst(%dma_wait3A_19 : memref<632x128xf32, #tpu.memory_space<hbm>>)
      tpu.yield
    }) : () -> ()
    return
  }
}

#map = affine_map<(d0, d1) -> (0, 0)>
#map1 = affine_map<(d0, d1) -> (0, 0, 0)>
module attributes {stable_mosaic.version = 14 : i64} {
  func.func @_sc_scatter(%arg0: i32, %arg1: i32, %arg2: memref<10000x128xf32, #tpu.memory_space<hbm>>, %arg3: memref<32x79x128xi32, #tpu.memory_space<hbm>>, %arg4: memref<32x79x128xi32, #tpu.memory_space<hbm>>, %arg5: memref<632x128xf32, #tpu.memory_space<hbm>>, %arg6: memref<20224x128xf32, #tpu.memory_space<hbm>>, %arg7: memref<79x128xi32, #tpu.memory_space<vmem>>, %arg8: memref<79x128xi32, #tpu.memory_space<vmem>>, %arg9: memref<128x128xf32, #tpu.memory_space<vmem>>, %arg10: memref<10112x128xf32, #tpu.memory_space<vmem_shared>>, %arg11: memref<!tpu.dma_semaphore, #tpu.memory_space<semaphore_mem>>) attributes {dimension_semantics = [#tpu.dimension_semantics<core_parallel>, #tpu.dimension_semantics<subcore_parallel>], iteration_bounds = array<i64: 2, 16>, scalar_prefetch = 0 : i64, scratch_operands = 5 : i64, tpu.core_type = #tpu.core_type<sc_vector_subcore>, window_params = [{transform_indices = #map}, {transform_indices = #map1}, {transform_indices = #map1}, {transform_indices = #map}, {transform_indices = #map}]} {
    %mul3A = arith.constant 2 : i32
    %mul3A_0 = arith.muli %arg1, %mul3A : i32
    %add3A = arith.addi %mul3A_0, %arg0 : i32
    %mul3A_1 = arith.constant 632 : i32
    %mul3A_2 = arith.muli %arg1, %mul3A_1 : i32
    "tpu.region"() ({
      %run_scoped3A = tpu.sem_alloc : memref<!tpu.dma_semaphore, #tpu.memory_space<semaphore_mem>>
      %dma_start3A = arith.constant 0 : i32
      %dma_start3A_16 = tpu.memref_slice %arg10[%mul3A_2, %dma_start3A] : memref<10112x128xf32, #tpu.memory_space<vmem_shared>> -> memref<632x128xf32, #tpu.memory_space<vmem_shared>>
      tpu.enqueue_dma source(%arg5 : memref<632x128xf32, #tpu.memory_space<hbm>>) target(%dma_start3A_16 : memref<632x128xf32, #tpu.memory_space<vmem_shared>>) target_semaphore(%run_scoped3A : memref<!tpu.dma_semaphore, #tpu.memory_space<semaphore_mem>>)
      %dma_wait3A = arith.constant 0 : i32
      %dma_wait3A_17 = tpu.memref_slice %arg10[%mul3A_2, %dma_wait3A] : memref<10112x128xf32, #tpu.memory_space<vmem_shared>> -> memref<632x128xf32, #tpu.memory_space<vmem_shared>>
      tpu.wait_dma2 semaphore(%run_scoped3A : memref<!tpu.dma_semaphore, #tpu.memory_space<semaphore_mem>>) src(%arg5 : memref<632x128xf32, #tpu.memory_space<hbm>>) dst(%dma_wait3A_17 : memref<632x128xf32, #tpu.memory_space<vmem_shared>>)
      tpu.yield
    }) : () -> ()
    "tpu.region"() ({
      %run_scoped3A = tpu.sem_alloc : memref<!tpu.dma_semaphore, #tpu.memory_space<semaphore_mem>>
      %dma_start3A = arith.constant 0 : i32
      %dma_start3A_16 = arith.constant 0 : i32
      %dma_start3A_17 = tpu.memref_slice %arg3[%add3A, %dma_start3A, %dma_start3A_16] : memref<32x79x128xi32, #tpu.memory_space<hbm>> -> memref<1x79x128xi32, #tpu.memory_space<hbm>>
      %dma_start3A_18 = tpu.memref_squeeze %dma_start3A_17 : memref<1x79x128xi32, #tpu.memory_space<hbm>> -> memref<79x128xi32, #tpu.memory_space<hbm>>
      %dma_start3A_19 = arith.constant 0 : i32
      %dma_start3A_20 = arith.constant 0 : i32
      %dma_start3A_21 = tpu.memref_slice %arg3[%add3A, %dma_start3A_19, %dma_start3A_20] : memref<32x79x128xi32, #tpu.memory_space<hbm>> -> memref<1x79x128xi32, #tpu.memory_space<hbm>>
      %dma_start3A_22 = tpu.memref_squeeze %dma_start3A_21 : memref<1x79x128xi32, #tpu.memory_space<hbm>> -> memref<79x128xi32, #tpu.memory_space<hbm>>
      tpu.enqueue_dma source(%dma_start3A_22 : memref<79x128xi32, #tpu.memory_space<hbm>>) target(%arg7 : memref<79x128xi32, #tpu.memory_space<vmem>>) target_semaphore(%run_scoped3A : memref<!tpu.dma_semaphore, #tpu.memory_space<semaphore_mem>>)
      %dma_wait3A = arith.constant 0 : i32
      %dma_wait3A_23 = arith.constant 0 : i32
      %dma_wait3A_24 = tpu.memref_slice %arg3[%add3A, %dma_wait3A, %dma_wait3A_23] : memref<32x79x128xi32, #tpu.memory_space<hbm>> -> memref<1x79x128xi32, #tpu.memory_space<hbm>>
      %dma_wait3A_25 = tpu.memref_squeeze %dma_wait3A_24 : memref<1x79x128xi32, #tpu.memory_space<hbm>> -> memref<79x128xi32, #tpu.memory_space<hbm>>
      %dma_wait3A_26 = arith.constant 0 : i32
      %dma_wait3A_27 = arith.constant 0 : i32
      %dma_wait3A_28 = tpu.memref_slice %arg3[%add3A, %dma_wait3A_26, %dma_wait3A_27] : memref<32x79x128xi32, #tpu.memory_space<hbm>> -> memref<1x79x128xi32, #tpu.memory_space<hbm>>
      %dma_wait3A_29 = tpu.memref_squeeze %dma_wait3A_28 : memref<1x79x128xi32, #tpu.memory_space<hbm>> -> memref<79x128xi32, #tpu.memory_space<hbm>>
      tpu.wait_dma2 semaphore(%run_scoped3A : memref<!tpu.dma_semaphore, #tpu.memory_space<semaphore_mem>>) src(%dma_wait3A_29 : memref<79x128xi32, #tpu.memory_space<hbm>>) dst(%arg7 : memref<79x128xi32, #tpu.memory_space<vmem>>)
      tpu.yield
    }) : () -> ()
    "tpu.region"() ({
      %run_scoped3A = tpu.sem_alloc : memref<!tpu.dma_semaphore, #tpu.memory_space<semaphore_mem>>
      %dma_start3A = arith.constant 0 : i32
      %dma_start3A_16 = arith.constant 0 : i32
      %dma_start3A_17 = tpu.memref_slice %arg4[%add3A, %dma_start3A, %dma_start3A_16] : memref<32x79x128xi32, #tpu.memory_space<hbm>> -> memref<1x79x128xi32, #tpu.memory_space<hbm>>
      %dma_start3A_18 = tpu.memref_squeeze %dma_start3A_17 : memref<1x79x128xi32, #tpu.memory_space<hbm>> -> memref<79x128xi32, #tpu.memory_space<hbm>>
      %dma_start3A_19 = arith.constant 0 : i32
      %dma_start3A_20 = arith.constant 0 : i32
      %dma_start3A_21 = tpu.memref_slice %arg4[%add3A, %dma_start3A_19, %dma_start3A_20] : memref<32x79x128xi32, #tpu.memory_space<hbm>> -> memref<1x79x128xi32, #tpu.memory_space<hbm>>
      %dma_start3A_22 = tpu.memref_squeeze %dma_start3A_21 : memref<1x79x128xi32, #tpu.memory_space<hbm>> -> memref<79x128xi32, #tpu.memory_space<hbm>>
      tpu.enqueue_dma source(%dma_start3A_22 : memref<79x128xi32, #tpu.memory_space<hbm>>) target(%arg8 : memref<79x128xi32, #tpu.memory_space<vmem>>) target_semaphore(%run_scoped3A : memref<!tpu.dma_semaphore, #tpu.memory_space<semaphore_mem>>)
      %dma_wait3A = arith.constant 0 : i32
      %dma_wait3A_23 = arith.constant 0 : i32
      %dma_wait3A_24 = tpu.memref_slice %arg4[%add3A, %dma_wait3A, %dma_wait3A_23] : memref<32x79x128xi32, #tpu.memory_space<hbm>> -> memref<1x79x128xi32, #tpu.memory_space<hbm>>
      %dma_wait3A_25 = tpu.memref_squeeze %dma_wait3A_24 : memref<1x79x128xi32, #tpu.memory_space<hbm>> -> memref<79x128xi32, #tpu.memory_space<hbm>>
      %dma_wait3A_26 = arith.constant 0 : i32
      %dma_wait3A_27 = arith.constant 0 : i32
      %dma_wait3A_28 = tpu.memref_slice %arg4[%add3A, %dma_wait3A_26, %dma_wait3A_27] : memref<32x79x128xi32, #tpu.memory_space<hbm>> -> memref<1x79x128xi32, #tpu.memory_space<hbm>>
      %dma_wait3A_29 = tpu.memref_squeeze %dma_wait3A_28 : memref<1x79x128xi32, #tpu.memory_space<hbm>> -> memref<79x128xi32, #tpu.memory_space<hbm>>
      tpu.wait_dma2 semaphore(%run_scoped3A : memref<!tpu.dma_semaphore, #tpu.memory_space<semaphore_mem>>) src(%dma_wait3A_29 : memref<79x128xi32, #tpu.memory_space<hbm>>) dst(%arg8 : memref<79x128xi32, #tpu.memory_space<vmem>>)
      tpu.yield
    }) : () -> ()
    %barrier3A = arith.constant 0 : index
    tpu.barrier barrier_id(%barrier3A)
    %scan3A = arith.constant 0 : i32
    %scan3A_3 = arith.constant 0 : i32
    %scan3A_4 = arith.constant 79 : i32
    %scan3A_5 = arith.addi %scan3A_3, %scan3A_4 : i32
    %scan3A_6 = arith.constant 1 : i32
    scf.for %scan3A_16 = %scan3A_3 to %scan3A_5 step %scan3A_6  : i32 {
      %dma_start3A = arith.constant 0 : i32
      %dma_start3A_17 = tpu.memref_slice %arg7[%scan3A_16, %dma_start3A] : memref<79x128xi32, #tpu.memory_space<vmem>> -> memref<1x128xi32, #tpu.memory_space<vmem>>
      %dma_start3A_18 = tpu.memref_squeeze %dma_start3A_17 : memref<1x128xi32, #tpu.memory_space<vmem>> -> memref<128xi32, #tpu.memory_space<vmem>>
      %dma_start3A_19 = arith.constant 0 : i32
      %dma_start3A_20 = arith.constant 0 : i32
      %dma_start3A_21 = tpu.memref_slice %arg2[%dma_start3A_19, %dma_start3A_20] : memref<10000x128xf32, #tpu.memory_space<hbm>> -> memref<10000x128xf32, #tpu.memory_space<hbm>>
      tpu.enqueue_indirect_dma source(%dma_start3A_21 : memref<10000x128xf32, #tpu.memory_space<hbm>>) target(%arg9 : memref<128x128xf32, #tpu.memory_space<vmem>>) offsets(%dma_start3A_18 : memref<128xi32, #tpu.memory_space<vmem>>) semaphore(%arg11 : memref<!tpu.dma_semaphore, #tpu.memory_space<semaphore_mem>>)
      %dma_wait3A = arith.constant 0 : i32
      %dma_wait3A_22 = tpu.memref_slice %arg7[%scan3A_16, %dma_wait3A] : memref<79x128xi32, #tpu.memory_space<vmem>> -> memref<1x128xi32, #tpu.memory_space<vmem>>
      %dma_wait3A_23 = tpu.memref_squeeze %dma_wait3A_22 : memref<1x128xi32, #tpu.memory_space<vmem>> -> memref<128xi32, #tpu.memory_space<vmem>>
      %dma_wait3A_24 = arith.constant 0 : i32
      %dma_wait3A_25 = arith.constant 0 : i32
      %dma_wait3A_26 = tpu.memref_slice %arg2[%dma_wait3A_24, %dma_wait3A_25] : memref<10000x128xf32, #tpu.memory_space<hbm>> -> memref<10000x128xf32, #tpu.memory_space<hbm>>
      tpu.wait_indirect_dma semaphore(%arg11 : memref<!tpu.dma_semaphore, #tpu.memory_space<semaphore_mem>>) src(%dma_wait3A_26 : memref<10000x128xf32, #tpu.memory_space<hbm>>) dst(%arg9 : memref<128x128xf32, #tpu.memory_space<vmem>>)
      "tpu.region"() ({
        %run_scoped3A = tpu.sem_alloc : memref<!tpu.dma_semaphore, #tpu.memory_space<semaphore_mem>>
        %dma_start3A_27 = arith.constant 0 : i32
        %dma_start3A_28 = tpu.memref_slice %arg8[%scan3A_16, %dma_start3A_27] : memref<79x128xi32, #tpu.memory_space<vmem>> -> memref<1x128xi32, #tpu.memory_space<vmem>>
        %dma_start3A_29 = tpu.memref_squeeze %dma_start3A_28 : memref<1x128xi32, #tpu.memory_space<vmem>> -> memref<128xi32, #tpu.memory_space<vmem>>
        %dma_start3A_30 = arith.constant 0 : i32
        %dma_start3A_31 = arith.constant 0 : i32
        %dma_start3A_32 = tpu.memref_slice %arg10[%dma_start3A_30, %dma_start3A_31] : memref<10112x128xf32, #tpu.memory_space<vmem_shared>> -> memref<10112x128xf32, #tpu.memory_space<vmem_shared>>
        tpu.enqueue_indirect_dma source(%arg9 : memref<128x128xf32, #tpu.memory_space<vmem>>) target(%dma_start3A_32 : memref<10112x128xf32, #tpu.memory_space<vmem_shared>>) offsets(%dma_start3A_29 : memref<128xi32, #tpu.memory_space<vmem>>) semaphore(%run_scoped3A : memref<!tpu.dma_semaphore, #tpu.memory_space<semaphore_mem>>) {add = true}
        %dma_wait3A_33 = arith.constant 0 : i32
        %dma_wait3A_34 = tpu.memref_slice %arg8[%scan3A_16, %dma_wait3A_33] : memref<79x128xi32, #tpu.memory_space<vmem>> -> memref<1x128xi32, #tpu.memory_space<vmem>>
        %dma_wait3A_35 = tpu.memref_squeeze %dma_wait3A_34 : memref<1x128xi32, #tpu.memory_space<vmem>> -> memref<128xi32, #tpu.memory_space<vmem>>
        %dma_wait3A_36 = arith.constant 0 : i32
        %dma_wait3A_37 = arith.constant 0 : i32
        %dma_wait3A_38 = tpu.memref_slice %arg10[%dma_wait3A_36, %dma_wait3A_37] : memref<10112x128xf32, #tpu.memory_space<vmem_shared>> -> memref<10112x128xf32, #tpu.memory_space<vmem_shared>>
        tpu.wait_indirect_dma semaphore(%run_scoped3A : memref<!tpu.dma_semaphore, #tpu.memory_space<semaphore_mem>>) src(%arg9 : memref<128x128xf32, #tpu.memory_space<vmem>>) dst(%dma_wait3A_38 : memref<10112x128xf32, #tpu.memory_space<vmem_shared>>)
        tpu.yield
      }) : () -> ()
    }
    %scan3A_7 = arith.constant 79 : i32
    %barrier3A_8 = arith.constant 0 : index
    tpu.barrier barrier_id(%barrier3A_8)
    %mul3A_9 = arith.constant 632 : i32
    %mul3A_10 = arith.muli %arg1, %mul3A_9 : i32
    %mul3A_11 = arith.constant 10112 : i32
    %mul3A_12 = arith.muli %arg0, %mul3A_11 : i32
    %mul3A_13 = arith.constant 632 : i32
    %mul3A_14 = arith.muli %arg1, %mul3A_13 : i32
    %add3A_15 = arith.addi %mul3A_12, %mul3A_14 : i32
    "tpu.region"() ({
      %run_scoped3A = tpu.sem_alloc : memref<!tpu.dma_semaphore, #tpu.memory_space<semaphore_mem>>
      %dma_start3A = arith.constant 0 : i32
      %dma_start3A_16 = tpu.memref_slice %arg6[%add3A_15, %dma_start3A] : memref<20224x128xf32, #tpu.memory_space<hbm>> -> memref<632x128xf32, #tpu.memory_space<hbm>>
      %dma_start3A_17 = arith.constant 0 : i32
      %dma_start3A_18 = tpu.memref_slice %arg10[%mul3A_10, %dma_start3A_17] : memref<10112x128xf32, #tpu.memory_space<vmem_shared>> -> memref<632x128xf32, #tpu.memory_space<vmem_shared>>
      tpu.enqueue_dma source(%dma_start3A_18 : memref<632x128xf32, #tpu.memory_space<vmem_shared>>) target(%dma_start3A_16 : memref<632x128xf32, #tpu.memory_space<hbm>>) target_semaphore(%run_scoped3A : memref<!tpu.dma_semaphore, #tpu.memory_space<semaphore_mem>>)
      %dma_wait3A = arith.constant 0 : i32
      %dma_wait3A_19 = tpu.memref_slice %arg6[%add3A_15, %dma_wait3A] : memref<20224x128xf32, #tpu.memory_space<hbm>> -> memref<632x128xf32, #tpu.memory_space<hbm>>
      %dma_wait3A_20 = arith.constant 0 : i32
      %dma_wait3A_21 = tpu.memref_slice %arg10[%mul3A_10, %dma_wait3A_20] : memref<10112x128xf32, #tpu.memory_space<vmem_shared>> -> memref<632x128xf32, #tpu.memory_space<vmem_shared>>
      tpu.wait_dma2 semaphore(%run_scoped3A : memref<!tpu.dma_semaphore, #tpu.memory_space<semaphore_mem>>) src(%dma_wait3A_21 : memref<632x128xf32, #tpu.memory_space<vmem_shared>>) dst(%dma_wait3A_19 : memref<632x128xf32, #tpu.memory_space<hbm>>)
      tpu.yield
    }) : () -> ()
    return
  }
}

#map = affine_map<(d0, d1) -> (0, 0)>
#map1 = affine_map<(d0, d1) -> (0, 0, 0)>
module attributes {stable_mosaic.version = 14 : i64} {
  func.func @_sc_scatter(%arg0: i32, %arg1: i32, %arg2: memref<10000x128xf32, #tpu.memory_space<hbm>>, %arg3: memref<32x79x128xi32, #tpu.memory_space<hbm>>, %arg4: memref<32x79x128xi32, #tpu.memory_space<hbm>>, %arg5: memref<632x128xf32, #tpu.memory_space<hbm>>, %arg6: memref<20224x128xf32, #tpu.memory_space<hbm>>, %arg7: memref<79x128xi32, #tpu.memory_space<vmem>>, %arg8: memref<79x128xi32, #tpu.memory_space<vmem>>, %arg9: memref<128x128xf32, #tpu.memory_space<vmem>>, %arg10: memref<10112x128xf32, #tpu.memory_space<vmem_shared>>, %arg11: memref<!tpu.dma_semaphore, #tpu.memory_space<semaphore_mem>>) attributes {dimension_semantics = [#tpu.dimension_semantics<core_parallel>, #tpu.dimension_semantics<subcore_parallel>], iteration_bounds = array<i64: 2, 16>, scalar_prefetch = 0 : i64, scratch_operands = 5 : i64, tpu.core_type = #tpu.core_type<sc_vector_subcore>, window_params = [{transform_indices = #map}, {transform_indices = #map1}, {transform_indices = #map1}, {transform_indices = #map}, {transform_indices = #map}]} {
    %mul3A = arith.constant 2 : i32
    %mul3A_0 = arith.muli %arg1, %mul3A : i32
    %add3A = arith.addi %mul3A_0, %arg0 : i32
    %mul3A_1 = arith.constant 632 : i32
    %mul3A_2 = arith.muli %arg1, %mul3A_1 : i32
    "tpu.region"() ({
      %run_scoped3A = tpu.sem_alloc : memref<!tpu.dma_semaphore, #tpu.memory_space<semaphore_mem>>
      %dma_start3A = arith.constant 0 : i32
      %dma_start3A_16 = tpu.memref_slice %arg10[%mul3A_2, %dma_start3A] : memref<10112x128xf32, #tpu.memory_space<vmem_shared>> -> memref<632x128xf32, #tpu.memory_space<vmem_shared>>
      tpu.enqueue_dma source(%arg5 : memref<632x128xf32, #tpu.memory_space<hbm>>) target(%dma_start3A_16 : memref<632x128xf32, #tpu.memory_space<vmem_shared>>) target_semaphore(%run_scoped3A : memref<!tpu.dma_semaphore, #tpu.memory_space<semaphore_mem>>)
      %dma_wait3A = arith.constant 0 : i32
      %dma_wait3A_17 = tpu.memref_slice %arg10[%mul3A_2, %dma_wait3A] : memref<10112x128xf32, #tpu.memory_space<vmem_shared>> -> memref<632x128xf32, #tpu.memory_space<vmem_shared>>
      tpu.wait_dma2 semaphore(%run_scoped3A : memref<!tpu.dma_semaphore, #tpu.memory_space<semaphore_mem>>) src(%arg5 : memref<632x128xf32, #tpu.memory_space<hbm>>) dst(%dma_wait3A_17 : memref<632x128xf32, #tpu.memory_space<vmem_shared>>)
      tpu.yield
    }) : () -> ()
    "tpu.region"() ({
      %run_scoped3A = tpu.sem_alloc : memref<!tpu.dma_semaphore, #tpu.memory_space<semaphore_mem>>
      %dma_start3A = arith.constant 0 : i32
      %dma_start3A_16 = arith.constant 0 : i32
      %dma_start3A_17 = tpu.memref_slice %arg3[%add3A, %dma_start3A, %dma_start3A_16] : memref<32x79x128xi32, #tpu.memory_space<hbm>> -> memref<1x79x128xi32, #tpu.memory_space<hbm>>
      %dma_start3A_18 = tpu.memref_squeeze %dma_start3A_17 : memref<1x79x128xi32, #tpu.memory_space<hbm>> -> memref<79x128xi32, #tpu.memory_space<hbm>>
      %dma_start3A_19 = arith.constant 0 : i32
      %dma_start3A_20 = arith.constant 0 : i32
      %dma_start3A_21 = tpu.memref_slice %arg3[%add3A, %dma_start3A_19, %dma_start3A_20] : memref<32x79x128xi32, #tpu.memory_space<hbm>> -> memref<1x79x128xi32, #tpu.memory_space<hbm>>
      %dma_start3A_22 = tpu.memref_squeeze %dma_start3A_21 : memref<1x79x128xi32, #tpu.memory_space<hbm>> -> memref<79x128xi32, #tpu.memory_space<hbm>>
      tpu.enqueue_dma source(%dma_start3A_22 : memref<79x128xi32, #tpu.memory_space<hbm>>) target(%arg7 : memref<79x128xi32, #tpu.memory_space<vmem>>) target_semaphore(%run_scoped3A : memref<!tpu.dma_semaphore, #tpu.memory_space<semaphore_mem>>)
      %dma_wait3A = arith.constant 0 : i32
      %dma_wait3A_23 = arith.constant 0 : i32
      %dma_wait3A_24 = tpu.memref_slice %arg3[%add3A, %dma_wait3A, %dma_wait3A_23] : memref<32x79x128xi32, #tpu.memory_space<hbm>> -> memref<1x79x128xi32, #tpu.memory_space<hbm>>
      %dma_wait3A_25 = tpu.memref_squeeze %dma_wait3A_24 : memref<1x79x128xi32, #tpu.memory_space<hbm>> -> memref<79x128xi32, #tpu.memory_space<hbm>>
      %dma_wait3A_26 = arith.constant 0 : i32
      %dma_wait3A_27 = arith.constant 0 : i32
      %dma_wait3A_28 = tpu.memref_slice %arg3[%add3A, %dma_wait3A_26, %dma_wait3A_27] : memref<32x79x128xi32, #tpu.memory_space<hbm>> -> memref<1x79x128xi32, #tpu.memory_space<hbm>>
      %dma_wait3A_29 = tpu.memref_squeeze %dma_wait3A_28 : memref<1x79x128xi32, #tpu.memory_space<hbm>> -> memref<79x128xi32, #tpu.memory_space<hbm>>
      tpu.wait_dma2 semaphore(%run_scoped3A : memref<!tpu.dma_semaphore, #tpu.memory_space<semaphore_mem>>) src(%dma_wait3A_29 : memref<79x128xi32, #tpu.memory_space<hbm>>) dst(%arg7 : memref<79x128xi32, #tpu.memory_space<vmem>>)
      tpu.yield
    }) : () -> ()
    "tpu.region"() ({
      %run_scoped3A = tpu.sem_alloc : memref<!tpu.dma_semaphore, #tpu.memory_space<semaphore_mem>>
      %dma_start3A = arith.constant 0 : i32
      %dma_start3A_16 = arith.constant 0 : i32
      %dma_start3A_17 = tpu.memref_slice %arg4[%add3A, %dma_start3A, %dma_start3A_16] : memref<32x79x128xi32, #tpu.memory_space<hbm>> -> memref<1x79x128xi32, #tpu.memory_space<hbm>>
      %dma_start3A_18 = tpu.memref_squeeze %dma_start3A_17 : memref<1x79x128xi32, #tpu.memory_space<hbm>> -> memref<79x128xi32, #tpu.memory_space<hbm>>
      %dma_start3A_19 = arith.constant 0 : i32
      %dma_start3A_20 = arith.constant 0 : i32
      %dma_start3A_21 = tpu.memref_slice %arg4[%add3A, %dma_start3A_19, %dma_start3A_20] : memref<32x79x128xi32, #tpu.memory_space<hbm>> -> memref<1x79x128xi32, #tpu.memory_space<hbm>>
      %dma_start3A_22 = tpu.memref_squeeze %dma_start3A_21 : memref<1x79x128xi32, #tpu.memory_space<hbm>> -> memref<79x128xi32, #tpu.memory_space<hbm>>
      tpu.enqueue_dma source(%dma_start3A_22 : memref<79x128xi32, #tpu.memory_space<hbm>>) target(%arg8 : memref<79x128xi32, #tpu.memory_space<vmem>>) target_semaphore(%run_scoped3A : memref<!tpu.dma_semaphore, #tpu.memory_space<semaphore_mem>>)
      %dma_wait3A = arith.constant 0 : i32
      %dma_wait3A_23 = arith.constant 0 : i32
      %dma_wait3A_24 = tpu.memref_slice %arg4[%add3A, %dma_wait3A, %dma_wait3A_23] : memref<32x79x128xi32, #tpu.memory_space<hbm>> -> memref<1x79x128xi32, #tpu.memory_space<hbm>>
      %dma_wait3A_25 = tpu.memref_squeeze %dma_wait3A_24 : memref<1x79x128xi32, #tpu.memory_space<hbm>> -> memref<79x128xi32, #tpu.memory_space<hbm>>
      %dma_wait3A_26 = arith.constant 0 : i32
      %dma_wait3A_27 = arith.constant 0 : i32
      %dma_wait3A_28 = tpu.memref_slice %arg4[%add3A, %dma_wait3A_26, %dma_wait3A_27] : memref<32x79x128xi32, #tpu.memory_space<hbm>> -> memref<1x79x128xi32, #tpu.memory_space<hbm>>
      %dma_wait3A_29 = tpu.memref_squeeze %dma_wait3A_28 : memref<1x79x128xi32, #tpu.memory_space<hbm>> -> memref<79x128xi32, #tpu.memory_space<hbm>>
      tpu.wait_dma2 semaphore(%run_scoped3A : memref<!tpu.dma_semaphore, #tpu.memory_space<semaphore_mem>>) src(%dma_wait3A_29 : memref<79x128xi32, #tpu.memory_space<hbm>>) dst(%arg8 : memref<79x128xi32, #tpu.memory_space<vmem>>)
      tpu.yield
    }) : () -> ()
    %barrier3A = arith.constant 0 : index
    tpu.barrier barrier_id(%barrier3A)
    %scan3A = arith.constant 0 : i32
    %scan3A_3 = arith.constant 0 : i32
    %scan3A_4 = arith.constant 79 : i32
    %scan3A_5 = arith.addi %scan3A_3, %scan3A_4 : i32
    %scan3A_6 = arith.constant 1 : i32
    scf.for %scan3A_16 = %scan3A_3 to %scan3A_5 step %scan3A_6  : i32 {
      %dma_start3A = arith.constant 0 : i32
      %dma_start3A_17 = tpu.memref_slice %arg7[%scan3A_16, %dma_start3A] : memref<79x128xi32, #tpu.memory_space<vmem>> -> memref<1x128xi32, #tpu.memory_space<vmem>>
      %dma_start3A_18 = tpu.memref_squeeze %dma_start3A_17 : memref<1x128xi32, #tpu.memory_space<vmem>> -> memref<128xi32, #tpu.memory_space<vmem>>
      %dma_start3A_19 = arith.constant 0 : i32
      %dma_start3A_20 = arith.constant 0 : i32
      %dma_start3A_21 = tpu.memref_slice %arg2[%dma_start3A_19, %dma_start3A_20] : memref<10000x128xf32, #tpu.memory_space<hbm>> -> memref<10000x128xf32, #tpu.memory_space<hbm>>
      tpu.enqueue_indirect_dma source(%dma_start3A_21 : memref<10000x128xf32, #tpu.memory_space<hbm>>) target(%arg9 : memref<128x128xf32, #tpu.memory_space<vmem>>) offsets(%dma_start3A_18 : memref<128xi32, #tpu.memory_space<vmem>>) semaphore(%arg11 : memref<!tpu.dma_semaphore, #tpu.memory_space<semaphore_mem>>)
      %dma_wait3A = arith.constant 0 : i32
      %dma_wait3A_22 = tpu.memref_slice %arg7[%scan3A_16, %dma_wait3A] : memref<79x128xi32, #tpu.memory_space<vmem>> -> memref<1x128xi32, #tpu.memory_space<vmem>>
      %dma_wait3A_23 = tpu.memref_squeeze %dma_wait3A_22 : memref<1x128xi32, #tpu.memory_space<vmem>> -> memref<128xi32, #tpu.memory_space<vmem>>
      %dma_wait3A_24 = arith.constant 0 : i32
      %dma_wait3A_25 = arith.constant 0 : i32
      %dma_wait3A_26 = tpu.memref_slice %arg2[%dma_wait3A_24, %dma_wait3A_25] : memref<10000x128xf32, #tpu.memory_space<hbm>> -> memref<10000x128xf32, #tpu.memory_space<hbm>>
      tpu.wait_indirect_dma semaphore(%arg11 : memref<!tpu.dma_semaphore, #tpu.memory_space<semaphore_mem>>) src(%dma_wait3A_26 : memref<10000x128xf32, #tpu.memory_space<hbm>>) dst(%arg9 : memref<128x128xf32, #tpu.memory_space<vmem>>)
      "tpu.region"() ({
        %run_scoped3A = tpu.sem_alloc : memref<!tpu.dma_semaphore, #tpu.memory_space<semaphore_mem>>
        %dma_start3A_27 = arith.constant 0 : i32
        %dma_start3A_28 = tpu.memref_slice %arg8[%scan3A_16, %dma_start3A_27] : memref<79x128xi32, #tpu.memory_space<vmem>> -> memref<1x128xi32, #tpu.memory_space<vmem>>
        %dma_start3A_29 = tpu.memref_squeeze %dma_start3A_28 : memref<1x128xi32, #tpu.memory_space<vmem>> -> memref<128xi32, #tpu.memory_space<vmem>>
        %dma_start3A_30 = arith.constant 0 : i32
        %dma_start3A_31 = arith.constant 0 : i32
        %dma_start3A_32 = tpu.memref_slice %arg10[%dma_start3A_30, %dma_start3A_31] : memref<10112x128xf32, #tpu.memory_space<vmem_shared>> -> memref<10112x128xf32, #tpu.memory_space<vmem_shared>>
        tpu.enqueue_indirect_dma source(%arg9 : memref<128x128xf32, #tpu.memory_space<vmem>>) target(%dma_start3A_32 : memref<10112x128xf32, #tpu.memory_space<vmem_shared>>) offsets(%dma_start3A_29 : memref<128xi32, #tpu.memory_space<vmem>>) semaphore(%run_scoped3A : memref<!tpu.dma_semaphore, #tpu.memory_space<semaphore_mem>>) {add = true}
        %dma_wait3A_33 = arith.constant 0 : i32
        %dma_wait3A_34 = tpu.memref_slice %arg8[%scan3A_16, %dma_wait3A_33] : memref<79x128xi32, #tpu.memory_space<vmem>> -> memref<1x128xi32, #tpu.memory_space<vmem>>
        %dma_wait3A_35 = tpu.memref_squeeze %dma_wait3A_34 : memref<1x128xi32, #tpu.memory_space<vmem>> -> memref<128xi32, #tpu.memory_space<vmem>>
        %dma_wait3A_36 = arith.constant 0 : i32
        %dma_wait3A_37 = arith.constant 0 : i32
        %dma_wait3A_38 = tpu.memref_slice %arg10[%dma_wait3A_36, %dma_wait3A_37] : memref<10112x128xf32, #tpu.memory_space<vmem_shared>> -> memref<10112x128xf32, #tpu.memory_space<vmem_shared>>
        tpu.wait_indirect_dma semaphore(%run_scoped3A : memref<!tpu.dma_semaphore, #tpu.memory_space<semaphore_mem>>) src(%arg9 : memref<128x128xf32, #tpu.memory_space<vmem>>) dst(%dma_wait3A_38 : memref<10112x128xf32, #tpu.memory_space<vmem_shared>>)
        tpu.yield
      }) : () -> ()
    }
    %scan3A_7 = arith.constant 79 : i32
    %barrier3A_8 = arith.constant 0 : index
    tpu.barrier barrier_id(%barrier3A_8)
    %mul3A_9 = arith.constant 632 : i32
    %mul3A_10 = arith.muli %arg1, %mul3A_9 : i32
    %mul3A_11 = arith.constant 10112 : i32
    %mul3A_12 = arith.muli %arg0, %mul3A_11 : i32
    %mul3A_13 = arith.constant 632 : i32
    %mul3A_14 = arith.muli %arg1, %mul3A_13 : i32
    %add3A_15 = arith.addi %mul3A_12, %mul3A_14 : i32
    "tpu.region"() ({
      %run_scoped3A = tpu.sem_alloc : memref<!tpu.dma_semaphore, #tpu.memory_space<semaphore_mem>>
      %dma_start3A = arith.constant 0 : i32
      %dma_start3A_16 = tpu.memref_slice %arg6[%add3A_15, %dma_start3A] : memref<20224x128xf32, #tpu.memory_space<hbm>> -> memref<632x128xf32, #tpu.memory_space<hbm>>
      %dma_start3A_17 = arith.constant 0 : i32
      %dma_start3A_18 = tpu.memref_slice %arg10[%mul3A_10, %dma_start3A_17] : memref<10112x128xf32, #tpu.memory_space<vmem_shared>> -> memref<632x128xf32, #tpu.memory_space<vmem_shared>>
      tpu.enqueue_dma source(%dma_start3A_18 : memref<632x128xf32, #tpu.memory_space<vmem_shared>>) target(%dma_start3A_16 : memref<632x128xf32, #tpu.memory_space<hbm>>) target_semaphore(%run_scoped3A : memref<!tpu.dma_semaphore, #tpu.memory_space<semaphore_mem>>)
      %dma_wait3A = arith.constant 0 : i32
      %dma_wait3A_19 = tpu.memref_slice %arg6[%add3A_15, %dma_wait3A] : memref<20224x128xf32, #tpu.memory_space<hbm>> -> memref<632x128xf32, #tpu.memory_space<hbm>>
      %dma_wait3A_20 = arith.constant 0 : i32
      %dma_wait3A_21 = tpu.memref_slice %arg10[%mul3A_10, %dma_wait3A_20] : memref<10112x128xf32, #tpu.memory_space<vmem_shared>> -> memref<632x128xf32, #tpu.memory_space<vmem_shared>>
      tpu.wait_dma2 semaphore(%run_scoped3A : memref<!tpu.dma_semaphore, #tpu.memory_space<semaphore_mem>>) src(%dma_wait3A_21 : memref<632x128xf32, #tpu.memory_space<vmem_shared>>) dst(%dma_wait3A_19 : memref<632x128xf32, #tpu.memory_space<hbm>>)
      tpu.yield
    }) : () -> ()
    return
  }
}

module attributes {stable_mosaic.version = 14 : i64} {
  func.func @_k1a_body(%arg0: memref<10000x128xf32, #tpu.memory_space<vmem>>, %arg1: memref<128x128xf32, #tpu.memory_space<vmem>>, %arg2: memref<1x128xf32, #tpu.memory_space<vmem>>, %arg3: memref<10000x128xf32, #tpu.memory_space<vmem>>) attributes {dimension_semantics = [], scalar_prefetch = 0 : i64, scratch_operands = 0 : i64, tpu.core_type = #tpu.core_type<tc>} {
    %get3A = arith.constant 0 : index
    %get3A_0 = arith.constant 0 : index
    %get3A_1 = vector.load %arg0[%get3A, %get3A_0] : memref<10000x128xf32, #tpu.memory_space<vmem>>, vector<10000x128xf32>
    %get3A_2 = arith.constant 0 : index
    %get3A_3 = arith.constant 0 : index
    %get3A_4 = vector.load %arg1[%get3A_2, %get3A_3] : memref<128x128xf32, #tpu.memory_space<vmem>>, vector<128x128xf32>
    %dot_general3A = arith.constant dense<0.000000e+00> : vector<10000x128xf32>
    %dot_general3A_5 = tpu.matmul %get3A_1, %get3A_4, %dot_general3A {dimension_numbers = #tpu.dot_dimension_numbers<[1], [1], [0], [0], [0, 0, 1, 0], [], []>, transpose_lhs_hint = false} : vector<10000x128xf32>, vector<128x128xf32>, vector<10000x128xf32> -> vector<10000x128xf32>
    %get3A_6 = arith.constant 0 : index
    %get3A_7 = arith.constant 0 : index
    %get3A_8 = vector.load %arg2[%get3A_6, %get3A_7] : memref<1x128xf32, #tpu.memory_space<vmem>>, vector<1x128xf32>
    %add3A = vector.broadcast %get3A_8 : vector<1x128xf32> to vector<10000x128xf32>
    %add3A_9 = arith.addf %dot_general3A_5, %add3A : vector<10000x128xf32>
    %swap3A = arith.constant 0 : index
    %swap3A_10 = arith.constant 0 : index
    %swap3A_11 = vector.load %arg3[%swap3A, %swap3A_10] : memref<10000x128xf32, #tpu.memory_space<vmem>>, vector<10000x128xf32>
    tpu.vector_store %arg3[%swap3A, %swap3A_10], %add3A_9 {strides = array<i32>} : memref<10000x128xf32, #tpu.memory_space<vmem>>, vector<10000x128xf32>,
    return
  }
}

module attributes {stable_mosaic.version = 14 : i64} {
  func.func @_k1b_body(%arg0: memref<10000x128xf32, #tpu.memory_space<vmem>>, %arg1: memref<1x128xf32, #tpu.memory_space<vmem>>, %arg2: memref<1x128xf32, #tpu.memory_space<vmem>>, %arg3: memref<1x128xf32, #tpu.memory_space<vmem>>, %arg4: memref<1x128xf32, #tpu.memory_space<vmem>>, %arg5: memref<128x128xf32, #tpu.memory_space<vmem>>, %arg6: memref<10000x128xf32, #tpu.memory_space<vmem>>, %arg7: memref<10000x128xf32, #tpu.memory_space<vmem>>) attributes {dimension_semantics = [], scalar_prefetch = 0 : i64, scratch_operands = 0 : i64, tpu.core_type = #tpu.core_type<tc>} {
    %get3A = arith.constant 0 : index
    %get3A_0 = arith.constant 0 : index
    %get3A_1 = vector.load %arg3[%get3A, %get3A_0] : memref<1x128xf32, #tpu.memory_space<vmem>>, vector<1x128xf32>
    %get3A_2 = arith.constant 0 : index
    %get3A_3 = arith.constant 0 : index
    %get3A_4 = vector.load %arg0[%get3A_2, %get3A_3] : memref<10000x128xf32, #tpu.memory_space<vmem>>, vector<10000x128xf32>
    %get3A_5 = arith.constant 0 : index
    %get3A_6 = arith.constant 0 : index
    %get3A_7 = vector.load %arg1[%get3A_5, %get3A_6] : memref<1x128xf32, #tpu.memory_space<vmem>>, vector<1x128xf32>
    %sub3A = vector.broadcast %get3A_7 : vector<1x128xf32> to vector<10000x128xf32>
    %sub3A_8 = arith.subf %get3A_4, %sub3A : vector<10000x128xf32>
    %mul3A = vector.broadcast %get3A_1 : vector<1x128xf32> to vector<10000x128xf32>
    %mul3A_9 = arith.mulf %mul3A, %sub3A_8 : vector<10000x128xf32>
    %get3A_10 = arith.constant 0 : index
    %get3A_11 = arith.constant 0 : index
    %get3A_12 = vector.load %arg2[%get3A_10, %get3A_11] : memref<1x128xf32, #tpu.memory_space<vmem>>, vector<1x128xf32>
    %add3A = arith.constant 9.99999974E-6 : f32
    %add3A_13 = vector.broadcast %add3A : f32 to vector<1x128xf32>
    %add3A_14 = arith.addf %get3A_12, %add3A_13 : vector<1x128xf32>
    %sqrt3A = math.sqrt %add3A_14 : vector<1x128xf32>
    %div3A = vector.broadcast %sqrt3A : vector<1x128xf32> to vector<10000x128xf32>
    %div3A_15 = arith.divf %mul3A_9, %div3A : vector<10000x128xf32>
    %get3A_16 = arith.constant 0 : index
    %get3A_17 = arith.constant 0 : index
    %get3A_18 = vector.load %arg4[%get3A_16, %get3A_17] : memref<1x128xf32, #tpu.memory_space<vmem>>, vector<1x128xf32>
    %add3A_19 = vector.broadcast %get3A_18 : vector<1x128xf32> to vector<10000x128xf32>
    %add3A_20 = arith.addf %div3A_15, %add3A_19 : vector<10000x128xf32>
    %max3A = arith.constant 0.000000e+00 : f32
    %max3A_21 = vector.broadcast %max3A : f32 to vector<10000x128xf32>
    %max3A_22 = arith.maximumf %add3A_20, %max3A_21 : vector<10000x128xf32>
    %swap3A = arith.constant 0 : index
    %swap3A_23 = arith.constant 0 : index
    %swap3A_24 = vector.load %arg6[%swap3A, %swap3A_23] : memref<10000x128xf32, #tpu.memory_space<vmem>>, vector<10000x128xf32>
    tpu.vector_store %arg6[%swap3A, %swap3A_23], %max3A_22 {strides = array<i32>} : memref<10000x128xf32, #tpu.memory_space<vmem>>, vector<10000x128xf32>,
    %get3A_25 = arith.constant 0 : index
    %get3A_26 = arith.constant 0 : index
    %get3A_27 = vector.load %arg5[%get3A_25, %get3A_26] : memref<128x128xf32, #tpu.memory_space<vmem>>, vector<128x128xf32>
    %dot_general3A = arith.constant dense<0.000000e+00> : vector<10000x128xf32>
    %dot_general3A_28 = tpu.matmul %max3A_22, %get3A_27, %dot_general3A {dimension_numbers = #tpu.dot_dimension_numbers<[1], [0], [0], [1], [0, 0, 1, 1], [], []>, transpose_lhs_hint = false} : vector<10000x128xf32>, vector<128x128xf32>, vector<10000x128xf32> -> vector<10000x128xf32>
    %swap3A_29 = arith.constant 0 : index
    %swap3A_30 = arith.constant 0 : index
    %swap3A_31 = vector.load %arg7[%swap3A_29, %swap3A_30] : memref<10000x128xf32, #tpu.memory_space<vmem>>, vector<10000x128xf32>
    tpu.vector_store %arg7[%swap3A_29, %swap3A_30], %dot_general3A_28 {strides = array<i32>} : memref<10000x128xf32, #tpu.memory_space<vmem>>, vector<10000x128xf32>,
    return
  }
}

module attributes {stable_mosaic.version = 14 : i64} {
  func.func @_gru_body(%arg0: i32, %arg1: memref<1x2000x128xf32, #tpu.memory_space<vmem>>, %arg2: memref<1x2000x128xf32, #tpu.memory_space<vmem>>, %arg3: memref<2000x128xf32, #tpu.memory_space<vmem>>, %arg4: memref<384x128xf32, #tpu.memory_space<vmem>>, %arg5: memref<384x128xf32, #tpu.memory_space<vmem>>, %arg6: memref<1x384xf32, #tpu.memory_space<vmem>>, %arg7: memref<1x384xf32, #tpu.memory_space<vmem>>, %arg8: memref<128x128xf32, #tpu.memory_space<vmem>>, %arg9: memref<2000x128xf32, #tpu.memory_space<vmem>>, %arg10: memref<2000x128xf32, #tpu.memory_space<vmem>>) attributes {dimension_semantics = [#tpu.dimension_semantics<arbitrary>], iteration_bounds = array<i64: 5>, scalar_prefetch = 0 : i64, scratch_operands = 0 : i64, tpu.core_type = #tpu.core_type<tc>, window_params = [{transform_indices = @transform_0, window_bounds = array<i64: 1, 2000, 128>}, {transform_indices = @transform_1, window_bounds = array<i64: 1, 2000, 128>}, {transform_indices = @transform_2, window_bounds = array<i64: 2000, 128>}, {pipeline_mode = #tpu.pipeline_mode<synchronous>, transform_indices = @transform_3, window_bounds = array<i64: 384, 128>}, {pipeline_mode = #tpu.pipeline_mode<synchronous>, transform_indices = @transform_4, window_bounds = array<i64: 384, 128>}, {pipeline_mode = #tpu.pipeline_mode<synchronous>, transform_indices = @transform_5, window_bounds = array<i64: 1, 384>}, {pipeline_mode = #tpu.pipeline_mode<synchronous>, transform_indices = @transform_6, window_bounds = array<i64: 1, 384>}, {pipeline_mode = #tpu.pipeline_mode<synchronous>, transform_indices = @transform_7, window_bounds = array<i64: 128, 128>}, {transform_indices = @transform_8, window_bounds = array<i64: 2000, 128>}, {transform_indices = @transform_9, window_bounds = array<i64: 2000, 128>}]} {
    %get3A = arith.constant 0 : index
    %get3A_0 = arith.constant 0 : index
    %get3A_1 = vector.load %arg3[%get3A, %get3A_0] : memref<2000x128xf32, #tpu.memory_space<vmem>>, vector<2000x128xf32>
    %get3A_2 = arith.constant 0 : index
    %get3A_3 = arith.constant 0 : index
    %get3A_4 = arith.constant 0 : index
    %get3A_5 = vector.load %arg1[%get3A_2, %get3A_3, %get3A_4] : memref<1x2000x128xf32, #tpu.memory_space<vmem>>, vector<1x2000x128xf32>
    %get3A_6 = vector.shape_cast %get3A_5 : vector<1x2000x128xf32> to vector<2000x128xf32>
    %get3A_7 = arith.constant 0 : index
    %get3A_8 = arith.constant 0 : index
    %get3A_9 = arith.constant 0 : index
    %get3A_10 = vector.load %arg2[%get3A_7, %get3A_8, %get3A_9] : memref<1x2000x128xf32, #tpu.memory_space<vmem>>, vector<1x2000x128xf32>
    %get3A_11 = vector.shape_cast %get3A_10 : vector<1x2000x128xf32> to vector<2000x128xf32>
    %add3A = arith.addf %get3A_6, %get3A_11 : vector<2000x128xf32>
    %get3A_12 = arith.constant 0 : index
    %get3A_13 = arith.constant 0 : index
    %get3A_14 = vector.load %arg4[%get3A_12, %get3A_13] : memref<384x128xf32, #tpu.memory_space<vmem>>, vector<384x128xf32>
    %dot_general3A = arith.constant dense<0.000000e+00> : vector<2000x384xf32>
    %dot_general3A_15 = tpu.matmul %add3A, %get3A_14, %dot_general3A {dimension_numbers = #tpu.dot_dimension_numbers<[1], [1], [0], [0], [0, 0, 1, 0], [], []>, transpose_lhs_hint = false} : vector<2000x128xf32>, vector<384x128xf32>, vector<2000x384xf32> -> vector<2000x384xf32>
    %get3A_16 = arith.constant 0 : index
    %get3A_17 = arith.constant 0 : index
    %get3A_18 = vector.load %arg6[%get3A_16, %get3A_17] : memref<1x384xf32, #tpu.memory_space<vmem>>, vector<1x384xf32>
    %add3A_19 = vector.broadcast %get3A_18 : vector<1x384xf32> to vector<2000x384xf32>
    %add3A_20 = arith.addf %dot_general3A_15, %add3A_19 : vector<2000x384xf32>
    %get3A_21 = arith.constant 0 : index
    %get3A_22 = arith.constant 0 : index
    %get3A_23 = vector.load %arg5[%get3A_21, %get3A_22] : memref<384x128xf32, #tpu.memory_space<vmem>>, vector<384x128xf32>
    %dot_general3A_24 = arith.constant dense<0.000000e+00> : vector<2000x384xf32>
    %dot_general3A_25 = tpu.matmul %get3A_1, %get3A_23, %dot_general3A_24 {dimension_numbers = #tpu.dot_dimension_numbers<[1], [1], [0], [0], [0, 0, 1, 0], [], []>, transpose_lhs_hint = false} : vector<2000x128xf32>, vector<384x128xf32>, vector<2000x384xf32> -> vector<2000x384xf32>
    %get3A_26 = arith.constant 0 : index
    %get3A_27 = arith.constant 0 : index
    %get3A_28 = vector.load %arg7[%get3A_26, %get3A_27] : memref<1x384xf32, #tpu.memory_space<vmem>>, vector<1x384xf32>
    %add3A_29 = vector.broadcast %get3A_28 : vector<1x384xf32> to vector<2000x384xf32>
    %add3A_30 = arith.addf %dot_general3A_25, %add3A_29 : vector<2000x384xf32>
    %slice3A = vector.extract_strided_slice %add3A_20 {offsets = [0, 0], sizes = [2000, 128], strides = [1, 1]} : vector<2000x384xf32> to vector<2000x128xf32>
    %slice3A_31 = vector.extract_strided_slice %add3A_30 {offsets = [0, 0], sizes = [2000, 128], strides = [1, 1]} : vector<2000x384xf32> to vector<2000x128xf32>
    %add3A_32 = arith.addf %slice3A, %slice3A_31 : vector<2000x128xf32>
    %logistic3A = arith.negf %add3A_32 : vector<2000x128xf32>
    %logistic3A_33 = math.exp %logistic3A : vector<2000x128xf32>
    %logistic3A_34 = arith.constant 1.000000e+00 : f32
    %logistic3A_35 = vector.broadcast %logistic3A_34 : f32 to vector<2000x128xf32>
    %logistic3A_36 = arith.addf %logistic3A_35, %logistic3A_33 : vector<2000x128xf32>
    %logistic3A_37 = arith.divf %logistic3A_35, %logistic3A_36 : vector<2000x128xf32>
    %slice3A_38 = vector.extract_strided_slice %add3A_20 {offsets = [0, 128], sizes = [2000, 128], strides = [1, 1]} : vector<2000x384xf32> to vector<2000x128xf32>
    %slice3A_39 = vector.extract_strided_slice %add3A_30 {offsets = [0, 128], sizes = [2000, 128], strides = [1, 1]} : vector<2000x384xf32> to vector<2000x128xf32>
    %add3A_40 = arith.addf %slice3A_38, %slice3A_39 : vector<2000x128xf32>
    %logistic3A_41 = arith.negf %add3A_40 : vector<2000x128xf32>
    %logistic3A_42 = math.exp %logistic3A_41 : vector<2000x128xf32>
    %logistic3A_43 = arith.constant 1.000000e+00 : f32
    %logistic3A_44 = vector.broadcast %logistic3A_43 : f32 to vector<2000x128xf32>
    %logistic3A_45 = arith.addf %logistic3A_44, %logistic3A_42 : vector<2000x128xf32>
    %logistic3A_46 = arith.divf %logistic3A_44, %logistic3A_45 : vector<2000x128xf32>
    %slice3A_47 = vector.extract_strided_slice %add3A_20 {offsets = [0, 256], sizes = [2000, 128], strides = [1, 1]} : vector<2000x384xf32> to vector<2000x128xf32>
    %slice3A_48 = vector.extract_strided_slice %add3A_30 {offsets = [0, 256], sizes = [2000, 128], strides = [1, 1]} : vector<2000x384xf32> to vector<2000x128xf32>
    %mul3A = arith.mulf %logistic3A_37, %slice3A_48 : vector<2000x128xf32>
    %add3A_49 = arith.addf %slice3A_47, %mul3A : vector<2000x128xf32>
    %tanh3A = math.tanh %add3A_49 : vector<2000x128xf32>
    %sub3A = arith.constant 1.000000e+00 : f32
    %sub3A_50 = vector.broadcast %sub3A : f32 to vector<2000x128xf32>
    %sub3A_51 = arith.subf %sub3A_50, %logistic3A_46 : vector<2000x128xf32>
    %mul3A_52 = arith.mulf %sub3A_51, %tanh3A : vector<2000x128xf32>
    %mul3A_53 = arith.mulf %logistic3A_46, %get3A_1 : vector<2000x128xf32>
    %add3A_54 = arith.addf %mul3A_52, %mul3A_53 : vector<2000x128xf32>
    %swap3A = arith.constant 0 : index
    %swap3A_55 = arith.constant 0 : index
    %swap3A_56 = vector.load %arg9[%swap3A, %swap3A_55] : memref<2000x128xf32, #tpu.memory_space<vmem>>, vector<2000x128xf32>
    tpu.vector_store %arg9[%swap3A, %swap3A_55], %add3A_54 {strides = array<i32>} : memref<2000x128xf32, #tpu.memory_space<vmem>>, vector<2000x128xf32>,
    %get3A_57 = arith.constant 0 : index
    %get3A_58 = arith.constant 0 : index
    %get3A_59 = vector.load %arg8[%get3A_57, %get3A_58] : memref<128x128xf32, #tpu.memory_space<vmem>>, vector<128x128xf32>
    %dot_general3A_60 = arith.constant dense<0.000000e+00> : vector<2000x128xf32>
    %dot_general3A_61 = tpu.matmul %add3A_54, %get3A_59, %dot_general3A_60 {dimension_numbers = #tpu.dot_dimension_numbers<[1], [0], [0], [1], [0, 0, 1, 1], [], []>, transpose_lhs_hint = false} : vector<2000x128xf32>, vector<128x128xf32>, vector<2000x128xf32> -> vector<2000x128xf32>
    %swap3A_62 = arith.constant 0 : index
    %swap3A_63 = arith.constant 0 : index
    %swap3A_64 = vector.load %arg10[%swap3A_62, %swap3A_63] : memref<2000x128xf32, #tpu.memory_space<vmem>>, vector<2000x128xf32>
    tpu.vector_store %arg10[%swap3A_62, %swap3A_63], %dot_general3A_61 {strides = array<i32>} : memref<2000x128xf32, #tpu.memory_space<vmem>>, vector<2000x128xf32>,
    return
  }
  func.func @transform_0(%arg0: i32) -> (i32, i32, i32) {
    %c0_i32 = arith.constant 0 : i32
    %c0_i32_0 = arith.constant 0 : i32
    %c0_i32_1 = arith.constant 0 : i32
    return %c0_i32, %arg0, %c0_i32_0 : i32, i32, i32
  }
  func.func @transform_1(%arg0: i32) -> (i32, i32, i32) {
    %c1_i32 = arith.constant 1 : i32
    %c0_i32 = arith.constant 0 : i32
    %c0_i32_0 = arith.constant 0 : i32
    return %c1_i32, %arg0, %c0_i32 : i32, i32, i32
  }
  func.func @transform_2(%arg0: i32) -> (i32, i32) {
    %c0_i32 = arith.constant 0 : i32
    %c0_i32_0 = arith.constant 0 : i32
    return %arg0, %c0_i32 : i32, i32
  }
  func.func @transform_3(%arg0: i32) -> (i32, i32) {
    %c0_i32 = arith.constant 0 : i32
    %c0_i32_0 = arith.constant 0 : i32
    %c0_i32_1 = arith.constant 0 : i32
    return %c0_i32, %c0_i32_0 : i32, i32
  }
  func.func @transform_4(%arg0: i32) -> (i32, i32) {
    %c0_i32 = arith.constant 0 : i32
    %c0_i32_0 = arith.constant 0 : i32
    %c0_i32_1 = arith.constant 0 : i32
    return %c0_i32, %c0_i32_0 : i32, i32
  }
  func.func @transform_5(%arg0: i32) -> (i32, i32) {
    %c0_i32 = arith.constant 0 : i32
    %c0_i32_0 = arith.constant 0 : i32
    %c0_i32_1 = arith.constant 0 : i32
    return %c0_i32, %c0_i32_0 : i32, i32
  }
  func.func @transform_6(%arg0: i32) -> (i32, i32) {
    %c0_i32 = arith.constant 0 : i32
    %c0_i32_0 = arith.constant 0 : i32
    %c0_i32_1 = arith.constant 0 : i32
    return %c0_i32, %c0_i32_0 : i32, i32
  }
  func.func @transform_7(%arg0: i32) -> (i32, i32) {
    %c0_i32 = arith.constant 0 : i32
    %c0_i32_0 = arith.constant 0 : i32
    %c0_i32_1 = arith.constant 0 : i32
    return %c0_i32, %c0_i32_0 : i32, i32
  }
  func.func @transform_8(%arg0: i32) -> (i32, i32) {
    %c0_i32 = arith.constant 0 : i32
    %c0_i32_0 = arith.constant 0 : i32
    return %arg0, %c0_i32 : i32, i32
  }
  func.func @transform_9(%arg0: i32) -> (i32, i32) {
    %c0_i32 = arith.constant 0 : i32
    %c0_i32_0 = arith.constant 0 : i32
    return %arg0, %c0_i32 : i32, i32
  }
}

module attributes {stable_mosaic.version = 14 : i64} {
  func.func @_gru_body(%arg0: i32, %arg1: memref<1x2000x128xf32, #tpu.memory_space<vmem>>, %arg2: memref<1x2000x128xf32, #tpu.memory_space<vmem>>, %arg3: memref<2000x128xf32, #tpu.memory_space<vmem>>, %arg4: memref<384x128xf32, #tpu.memory_space<vmem>>, %arg5: memref<384x128xf32, #tpu.memory_space<vmem>>, %arg6: memref<1x384xf32, #tpu.memory_space<vmem>>, %arg7: memref<1x384xf32, #tpu.memory_space<vmem>>, %arg8: memref<128x128xf32, #tpu.memory_space<vmem>>, %arg9: memref<2000x128xf32, #tpu.memory_space<vmem>>) attributes {dimension_semantics = [#tpu.dimension_semantics<arbitrary>], iteration_bounds = array<i64: 5>, scalar_prefetch = 0 : i64, scratch_operands = 0 : i64, tpu.core_type = #tpu.core_type<tc>, window_params = [{transform_indices = @transform_0, window_bounds = array<i64: 1, 2000, 128>}, {transform_indices = @transform_1, window_bounds = array<i64: 1, 2000, 128>}, {transform_indices = @transform_2, window_bounds = array<i64: 2000, 128>}, {pipeline_mode = #tpu.pipeline_mode<synchronous>, transform_indices = @transform_3, window_bounds = array<i64: 384, 128>}, {pipeline_mode = #tpu.pipeline_mode<synchronous>, transform_indices = @transform_4, window_bounds = array<i64: 384, 128>}, {pipeline_mode = #tpu.pipeline_mode<synchronous>, transform_indices = @transform_5, window_bounds = array<i64: 1, 384>}, {pipeline_mode = #tpu.pipeline_mode<synchronous>, transform_indices = @transform_6, window_bounds = array<i64: 1, 384>}, {pipeline_mode = #tpu.pipeline_mode<synchronous>, transform_indices = @transform_7, window_bounds = array<i64: 128, 128>}, {transform_indices = @transform_8, window_bounds = array<i64: 2000, 128>}]} {
    %get3A = arith.constant 0 : index
    %get3A_0 = arith.constant 0 : index
    %get3A_1 = vector.load %arg3[%get3A, %get3A_0] : memref<2000x128xf32, #tpu.memory_space<vmem>>, vector<2000x128xf32>
    %get3A_2 = arith.constant 0 : index
    %get3A_3 = arith.constant 0 : index
    %get3A_4 = arith.constant 0 : index
    %get3A_5 = vector.load %arg1[%get3A_2, %get3A_3, %get3A_4] : memref<1x2000x128xf32, #tpu.memory_space<vmem>>, vector<1x2000x128xf32>
    %get3A_6 = vector.shape_cast %get3A_5 : vector<1x2000x128xf32> to vector<2000x128xf32>
    %get3A_7 = arith.constant 0 : index
    %get3A_8 = arith.constant 0 : index
    %get3A_9 = arith.constant 0 : index
    %get3A_10 = vector.load %arg2[%get3A_7, %get3A_8, %get3A_9] : memref<1x2000x128xf32, #tpu.memory_space<vmem>>, vector<1x2000x128xf32>
    %get3A_11 = vector.shape_cast %get3A_10 : vector<1x2000x128xf32> to vector<2000x128xf32>
    %add3A = arith.addf %get3A_6, %get3A_11 : vector<2000x128xf32>
    %get3A_12 = arith.constant 0 : index
    %get3A_13 = arith.constant 0 : index
    %get3A_14 = vector.load %arg4[%get3A_12, %get3A_13] : memref<384x128xf32, #tpu.memory_space<vmem>>, vector<384x128xf32>
    %dot_general3A = arith.constant dense<0.000000e+00> : vector<2000x384xf32>
    %dot_general3A_15 = tpu.matmul %add3A, %get3A_14, %dot_general3A {dimension_numbers = #tpu.dot_dimension_numbers<[1], [1], [0], [0], [0, 0, 1, 0], [], []>, transpose_lhs_hint = false} : vector<2000x128xf32>, vector<384x128xf32>, vector<2000x384xf32> -> vector<2000x384xf32>
    %get3A_16 = arith.constant 0 : index
    %get3A_17 = arith.constant 0 : index
    %get3A_18 = vector.load %arg6[%get3A_16, %get3A_17] : memref<1x384xf32, #tpu.memory_space<vmem>>, vector<1x384xf32>
    %add3A_19 = vector.broadcast %get3A_18 : vector<1x384xf32> to vector<2000x384xf32>
    %add3A_20 = arith.addf %dot_general3A_15, %add3A_19 : vector<2000x384xf32>
    %get3A_21 = arith.constant 0 : index
    %get3A_22 = arith.constant 0 : index
    %get3A_23 = vector.load %arg5[%get3A_21, %get3A_22] : memref<384x128xf32, #tpu.memory_space<vmem>>, vector<384x128xf32>
    %dot_general3A_24 = arith.constant dense<0.000000e+00> : vector<2000x384xf32>
    %dot_general3A_25 = tpu.matmul %get3A_1, %get3A_23, %dot_general3A_24 {dimension_numbers = #tpu.dot_dimension_numbers<[1], [1], [0], [0], [0, 0, 1, 0], [], []>, transpose_lhs_hint = false} : vector<2000x128xf32>, vector<384x128xf32>, vector<2000x384xf32> -> vector<2000x384xf32>
    %get3A_26 = arith.constant 0 : index
    %get3A_27 = arith.constant 0 : index
    %get3A_28 = vector.load %arg7[%get3A_26, %get3A_27] : memref<1x384xf32, #tpu.memory_space<vmem>>, vector<1x384xf32>
    %add3A_29 = vector.broadcast %get3A_28 : vector<1x384xf32> to vector<2000x384xf32>
    %add3A_30 = arith.addf %dot_general3A_25, %add3A_29 : vector<2000x384xf32>
    %slice3A = vector.extract_strided_slice %add3A_20 {offsets = [0, 0], sizes = [2000, 128], strides = [1, 1]} : vector<2000x384xf32> to vector<2000x128xf32>
    %slice3A_31 = vector.extract_strided_slice %add3A_30 {offsets = [0, 0], sizes = [2000, 128], strides = [1, 1]} : vector<2000x384xf32> to vector<2000x128xf32>
    %add3A_32 = arith.addf %slice3A, %slice3A_31 : vector<2000x128xf32>
    %logistic3A = arith.negf %add3A_32 : vector<2000x128xf32>
    %logistic3A_33 = math.exp %logistic3A : vector<2000x128xf32>
    %logistic3A_34 = arith.constant 1.000000e+00 : f32
    %logistic3A_35 = vector.broadcast %logistic3A_34 : f32 to vector<2000x128xf32>
    %logistic3A_36 = arith.addf %logistic3A_35, %logistic3A_33 : vector<2000x128xf32>
    %logistic3A_37 = arith.divf %logistic3A_35, %logistic3A_36 : vector<2000x128xf32>
    %slice3A_38 = vector.extract_strided_slice %add3A_20 {offsets = [0, 128], sizes = [2000, 128], strides = [1, 1]} : vector<2000x384xf32> to vector<2000x128xf32>
    %slice3A_39 = vector.extract_strided_slice %add3A_30 {offsets = [0, 128], sizes = [2000, 128], strides = [1, 1]} : vector<2000x384xf32> to vector<2000x128xf32>
    %add3A_40 = arith.addf %slice3A_38, %slice3A_39 : vector<2000x128xf32>
    %logistic3A_41 = arith.negf %add3A_40 : vector<2000x128xf32>
    %logistic3A_42 = math.exp %logistic3A_41 : vector<2000x128xf32>
    %logistic3A_43 = arith.constant 1.000000e+00 : f32
    %logistic3A_44 = vector.broadcast %logistic3A_43 : f32 to vector<2000x128xf32>
    %logistic3A_45 = arith.addf %logistic3A_44, %logistic3A_42 : vector<2000x128xf32>
    %logistic3A_46 = arith.divf %logistic3A_44, %logistic3A_45 : vector<2000x128xf32>
    %slice3A_47 = vector.extract_strided_slice %add3A_20 {offsets = [0, 256], sizes = [2000, 128], strides = [1, 1]} : vector<2000x384xf32> to vector<2000x128xf32>
    %slice3A_48 = vector.extract_strided_slice %add3A_30 {offsets = [0, 256], sizes = [2000, 128], strides = [1, 1]} : vector<2000x384xf32> to vector<2000x128xf32>
    %mul3A = arith.mulf %logistic3A_37, %slice3A_48 : vector<2000x128xf32>
    %add3A_49 = arith.addf %slice3A_47, %mul3A : vector<2000x128xf32>
    %tanh3A = math.tanh %add3A_49 : vector<2000x128xf32>
    %sub3A = arith.constant 1.000000e+00 : f32
    %sub3A_50 = vector.broadcast %sub3A : f32 to vector<2000x128xf32>
    %sub3A_51 = arith.subf %sub3A_50, %logistic3A_46 : vector<2000x128xf32>
    %mul3A_52 = arith.mulf %sub3A_51, %tanh3A : vector<2000x128xf32>
    %mul3A_53 = arith.mulf %logistic3A_46, %get3A_1 : vector<2000x128xf32>
    %add3A_54 = arith.addf %mul3A_52, %mul3A_53 : vector<2000x128xf32>
    %swap3A = arith.constant 0 : index
    %swap3A_55 = arith.constant 0 : index
    %swap3A_56 = vector.load %arg9[%swap3A, %swap3A_55] : memref<2000x128xf32, #tpu.memory_space<vmem>>, vector<2000x128xf32>
    tpu.vector_store %arg9[%swap3A, %swap3A_55], %add3A_54 {strides = array<i32>} : memref<2000x128xf32, #tpu.memory_space<vmem>>, vector<2000x128xf32>,
    return
  }
  func.func @transform_0(%arg0: i32) -> (i32, i32, i32) {
    %c0_i32 = arith.constant 0 : i32
    %c0_i32_0 = arith.constant 0 : i32
    %c0_i32_1 = arith.constant 0 : i32
    return %c0_i32, %arg0, %c0_i32_0 : i32, i32, i32
  }
  func.func @transform_1(%arg0: i32) -> (i32, i32, i32) {
    %c1_i32 = arith.constant 1 : i32
    %c0_i32 = arith.constant 0 : i32
    %c0_i32_0 = arith.constant 0 : i32
    return %c1_i32, %arg0, %c0_i32 : i32, i32, i32
  }
  func.func @transform_2(%arg0: i32) -> (i32, i32) {
    %c0_i32 = arith.constant 0 : i32
    %c0_i32_0 = arith.constant 0 : i32
    return %arg0, %c0_i32 : i32, i32
  }
  func.func @transform_3(%arg0: i32) -> (i32, i32) {
    %c0_i32 = arith.constant 0 : i32
    %c0_i32_0 = arith.constant 0 : i32
    %c0_i32_1 = arith.constant 0 : i32
    return %c0_i32, %c0_i32_0 : i32, i32
  }
  func.func @transform_4(%arg0: i32) -> (i32, i32) {
    %c0_i32 = arith.constant 0 : i32
    %c0_i32_0 = arith.constant 0 : i32
    %c0_i32_1 = arith.constant 0 : i32
    return %c0_i32, %c0_i32_0 : i32, i32
  }
  func.func @transform_5(%arg0: i32) -> (i32, i32) {
    %c0_i32 = arith.constant 0 : i32
    %c0_i32_0 = arith.constant 0 : i32
    %c0_i32_1 = arith.constant 0 : i32
    return %c0_i32, %c0_i32_0 : i32, i32
  }
  func.func @transform_6(%arg0: i32) -> (i32, i32) {
    %c0_i32 = arith.constant 0 : i32
    %c0_i32_0 = arith.constant 0 : i32
    %c0_i32_1 = arith.constant 0 : i32
    return %c0_i32, %c0_i32_0 : i32, i32
  }
  func.func @transform_7(%arg0: i32) -> (i32, i32) {
    %c0_i32 = arith.constant 0 : i32
    %c0_i32_0 = arith.constant 0 : i32
    %c0_i32_1 = arith.constant 0 : i32
    return %c0_i32, %c0_i32_0 : i32, i32
  }
  func.func @transform_8(%arg0: i32) -> (i32, i32) {
    %c0_i32 = arith.constant 0 : i32
    %c0_i32_0 = arith.constant 0 : i32
    return %arg0, %c0_i32 : i32, i32
  }
}

module attributes {stable_mosaic.version = 14 : i64} {
  func.func @_k4a_body(%arg0: memref<10000x128xf32, #tpu.memory_space<vmem>>, %arg1: memref<1x128xf32, #tpu.memory_space<vmem>>, %arg2: memref<1x128xf32, #tpu.memory_space<vmem>>, %arg3: memref<10000x128xf32, #tpu.memory_space<vmem>>, %arg4: memref<1x128xf32, #tpu.memory_space<vmem>>, %arg5: memref<1x128xf32, #tpu.memory_space<vmem>>, %arg6: memref<10000x1xi32, #tpu.memory_space<vmem>>, %arg7: memref<128x256xf32, #tpu.memory_space<vmem>>, %arg8: memref<1x128xf32, #tpu.memory_space<vmem>>, %arg9: memref<64x128xf32, #tpu.memory_space<vmem>>) attributes {dimension_semantics = [], scalar_prefetch = 0 : i64, scratch_operands = 0 : i64, tpu.core_type = #tpu.core_type<tc>} {
    %get3A = arith.constant 0 : index
    %get3A_0 = arith.constant 0 : index
    %get3A_1 = vector.load %arg0[%get3A, %get3A_0] : memref<10000x128xf32, #tpu.memory_space<vmem>>, vector<10000x128xf32>
    %get3A_2 = arith.constant 0 : index
    %get3A_3 = arith.constant 0 : index
    %get3A_4 = vector.load %arg4[%get3A_2, %get3A_3] : memref<1x128xf32, #tpu.memory_space<vmem>>, vector<1x128xf32>
    %get3A_5 = arith.constant 0 : index
    %get3A_6 = arith.constant 0 : index
    %get3A_7 = vector.load %arg1[%get3A_5, %get3A_6] : memref<1x128xf32, #tpu.memory_space<vmem>>, vector<1x128xf32>
    %sub3A = vector.broadcast %get3A_7 : vector<1x128xf32> to vector<10000x128xf32>
    %sub3A_8 = arith.subf %get3A_1, %sub3A : vector<10000x128xf32>
    %mul3A = vector.broadcast %get3A_4 : vector<1x128xf32> to vector<10000x128xf32>
    %mul3A_9 = arith.mulf %mul3A, %sub3A_8 : vector<10000x128xf32>
    %get3A_10 = arith.constant 0 : index
    %get3A_11 = arith.constant 0 : index
    %get3A_12 = vector.load %arg2[%get3A_10, %get3A_11] : memref<1x128xf32, #tpu.memory_space<vmem>>, vector<1x128xf32>
    %add3A = arith.constant 9.99999974E-6 : f32
    %add3A_13 = vector.broadcast %add3A : f32 to vector<1x128xf32>
    %add3A_14 = arith.addf %get3A_12, %add3A_13 : vector<1x128xf32>
    %sqrt3A = math.sqrt %add3A_14 : vector<1x128xf32>
    %div3A = vector.broadcast %sqrt3A : vector<1x128xf32> to vector<10000x128xf32>
    %div3A_15 = arith.divf %mul3A_9, %div3A : vector<10000x128xf32>
    %get3A_16 = arith.constant 0 : index
    %get3A_17 = arith.constant 0 : index
    %get3A_18 = vector.load %arg5[%get3A_16, %get3A_17] : memref<1x128xf32, #tpu.memory_space<vmem>>, vector<1x128xf32>
    %add3A_19 = vector.broadcast %get3A_18 : vector<1x128xf32> to vector<10000x128xf32>
    %add3A_20 = arith.addf %div3A_15, %add3A_19 : vector<10000x128xf32>
    %get3A_21 = arith.constant 0 : index
    %get3A_22 = arith.constant 0 : index
    %get3A_23 = vector.load %arg3[%get3A_21, %get3A_22] : memref<10000x128xf32, #tpu.memory_space<vmem>>, vector<10000x128xf32>
    %add3A_24 = arith.addf %add3A_20, %get3A_23 : vector<10000x128xf32>
    %max3A = arith.constant 0.000000e+00 : f32
    %max3A_25 = vector.broadcast %max3A : f32 to vector<10000x128xf32>
    %max3A_26 = arith.maximumf %add3A_24, %max3A_25 : vector<10000x128xf32>
    %get3A_27 = arith.constant 0 : index
    %get3A_28 = arith.constant 0 : index
    %get3A_29 = vector.load %arg6[%get3A_27, %get3A_28] : memref<10000x1xi32, #tpu.memory_space<vmem>>, vector<10000x1xi32>
    %iota3A = tpu.iota {dimensions = array<i32: 1>} : vector<10000x64xi32>
    %eq3A = vector.broadcast %get3A_29 : vector<10000x1xi32> to vector<10000x64xi32>
    %eq3A_30 = arith.cmpi eq, %eq3A, %iota3A : vector<10000x64xi32>
    %convert_element_type3A = arith.extui %eq3A_30 : vector<10000x64xi1> to vector<10000x64xi32>
    %convert_element_type3A_31 = arith.sitofp %convert_element_type3A : vector<10000x64xi32> to vector<10000x64xf32>
    %dot_general3A = arith.constant dense<0.000000e+00> : vector<64x128xf32>
    %dot_general3A_32 = tpu.matmul %convert_element_type3A_31, %max3A_26, %dot_general3A {dimension_numbers = #tpu.dot_dimension_numbers<[0], [0], [1], [1], [0, 1, 1, 1], [], []>, transpose_lhs_hint = false} : vector<10000x64xf32>, vector<10000x128xf32>, vector<64x128xf32> -> vector<64x128xf32>
    %reduce_sum3A = arith.constant dense<0.000000e+00> : vector<64xf32>
    %reduce_sum3A_33 = vector.multi_reduction <add>, %convert_element_type3A_31, %reduce_sum3A [0] : vector<10000x64xf32> to vector<64xf32>
    %broadcast_in_dim3A = vector.shape_cast %reduce_sum3A_33 : vector<64xf32> to vector<64x1xf32>
    %max3A_34 = arith.constant 1.000000e+00 : f32
    %max3A_35 = vector.broadcast %max3A_34 : f32 to vector<64x1xf32>
    %max3A_36 = arith.maximumf %broadcast_in_dim3A, %max3A_35 : vector<64x1xf32>
    %div3A_37 = vector.broadcast %max3A_36 : vector<64x1xf32> to vector<64x128xf32>
    %div3A_38 = arith.divf %dot_general3A_32, %div3A_37 : vector<64x128xf32>
    %concatenate3A = tpu.concatenate %div3A_38, %div3A_38 in 1 : vector<64x128xf32>, vector<64x128xf32> -> vector<64x256xf32>
    %get3A_39 = arith.constant 0 : index
    %get3A_40 = arith.constant 0 : index
    %get3A_41 = vector.load %arg7[%get3A_39, %get3A_40] : memref<128x256xf32, #tpu.memory_space<vmem>>, vector<128x256xf32>
    %dot_general3A_42 = arith.constant dense<0.000000e+00> : vector<64x128xf32>
    %dot_general3A_43 = tpu.matmul %concatenate3A, %get3A_41, %dot_general3A_42 {dimension_numbers = #tpu.dot_dimension_numbers<[1], [1], [0], [0], [0, 0, 1, 0], [], []>, transpose_lhs_hint = false} : vector<64x256xf32>, vector<128x256xf32>, vector<64x128xf32> -> vector<64x128xf32>
    %get3A_44 = arith.constant 0 : index
    %get3A_45 = arith.constant 0 : index
    %get3A_46 = vector.load %arg8[%get3A_44, %get3A_45] : memref<1x128xf32, #tpu.memory_space<vmem>>, vector<1x128xf32>
    %add3A_47 = vector.broadcast %get3A_46 : vector<1x128xf32> to vector<64x128xf32>
    %add3A_48 = arith.addf %dot_general3A_43, %add3A_47 : vector<64x128xf32>
    %swap3A = arith.constant 0 : index
    %swap3A_49 = arith.constant 0 : index
    %swap3A_50 = vector.load %arg9[%swap3A, %swap3A_49] : memref<64x128xf32, #tpu.memory_space<vmem>>, vector<64x128xf32>
    tpu.vector_store %arg9[%swap3A, %swap3A_49], %add3A_48 {strides = array<i32>} : memref<64x128xf32, #tpu.memory_space<vmem>>, vector<64x128xf32>,
    return
  }
}

module attributes {stable_mosaic.version = 14 : i64} {
  func.func @_k4b_body(%arg0: memref<64x128xf32, #tpu.memory_space<vmem>>, %arg1: memref<1x128xf32, #tpu.memory_space<vmem>>, %arg2: memref<1x128xf32, #tpu.memory_space<vmem>>, %arg3: memref<1x128xf32, #tpu.memory_space<vmem>>, %arg4: memref<1x128xf32, #tpu.memory_space<vmem>>, %arg5: memref<2x128xf32, #tpu.memory_space<vmem>>, %arg6: memref<1x2xf32, #tpu.memory_space<vmem>>, %arg7: memref<64x2xf32, #tpu.memory_space<vmem>>) attributes {dimension_semantics = [], scalar_prefetch = 0 : i64, scratch_operands = 0 : i64, tpu.core_type = #tpu.core_type<tc>} {
    %get3A = arith.constant 0 : index
    %get3A_0 = arith.constant 0 : index
    %get3A_1 = vector.load %arg3[%get3A, %get3A_0] : memref<1x128xf32, #tpu.memory_space<vmem>>, vector<1x128xf32>
    %get3A_2 = arith.constant 0 : index
    %get3A_3 = arith.constant 0 : index
    %get3A_4 = vector.load %arg0[%get3A_2, %get3A_3] : memref<64x128xf32, #tpu.memory_space<vmem>>, vector<64x128xf32>
    %get3A_5 = arith.constant 0 : index
    %get3A_6 = arith.constant 0 : index
    %get3A_7 = vector.load %arg1[%get3A_5, %get3A_6] : memref<1x128xf32, #tpu.memory_space<vmem>>, vector<1x128xf32>
    %sub3A = vector.broadcast %get3A_7 : vector<1x128xf32> to vector<64x128xf32>
    %sub3A_8 = arith.subf %get3A_4, %sub3A : vector<64x128xf32>
    %mul3A = vector.broadcast %get3A_1 : vector<1x128xf32> to vector<64x128xf32>
    %mul3A_9 = arith.mulf %mul3A, %sub3A_8 : vector<64x128xf32>
    %get3A_10 = arith.constant 0 : index
    %get3A_11 = arith.constant 0 : index
    %get3A_12 = vector.load %arg2[%get3A_10, %get3A_11] : memref<1x128xf32, #tpu.memory_space<vmem>>, vector<1x128xf32>
    %add3A = arith.constant 9.99999974E-6 : f32
    %add3A_13 = vector.broadcast %add3A : f32 to vector<1x128xf32>
    %add3A_14 = arith.addf %get3A_12, %add3A_13 : vector<1x128xf32>
    %sqrt3A = math.sqrt %add3A_14 : vector<1x128xf32>
    %div3A = vector.broadcast %sqrt3A : vector<1x128xf32> to vector<64x128xf32>
    %div3A_15 = arith.divf %mul3A_9, %div3A : vector<64x128xf32>
    %get3A_16 = arith.constant 0 : index
    %get3A_17 = arith.constant 0 : index
    %get3A_18 = vector.load %arg4[%get3A_16, %get3A_17] : memref<1x128xf32, #tpu.memory_space<vmem>>, vector<1x128xf32>
    %add3A_19 = vector.broadcast %get3A_18 : vector<1x128xf32> to vector<64x128xf32>
    %add3A_20 = arith.addf %div3A_15, %add3A_19 : vector<64x128xf32>
    %max3A = arith.constant 0.000000e+00 : f32
    %max3A_21 = vector.broadcast %max3A : f32 to vector<64x128xf32>
    %max3A_22 = arith.maximumf %add3A_20, %max3A_21 : vector<64x128xf32>
    %get3A_23 = arith.constant 0 : index
    %get3A_24 = arith.constant 0 : index
    %get3A_25 = vector.load %arg5[%get3A_23, %get3A_24] : memref<2x128xf32, #tpu.memory_space<vmem>>, vector<2x128xf32>
    %dot_general3A = arith.constant dense<0.000000e+00> : vector<64x2xf32>
    %dot_general3A_26 = tpu.matmul %max3A_22, %get3A_25, %dot_general3A {dimension_numbers = #tpu.dot_dimension_numbers<[1], [1], [0], [0], [0, 0, 1, 0], [], []>, transpose_lhs_hint = false} : vector<64x128xf32>, vector<2x128xf32>, vector<64x2xf32> -> vector<64x2xf32>
    %get3A_27 = arith.constant 0 : index
    %get3A_28 = arith.constant 0 : index
    %get3A_29 = vector.load %arg6[%get3A_27, %get3A_28] : memref<1x2xf32, #tpu.memory_space<vmem>>, vector<1x2xf32>
    %add3A_30 = vector.broadcast %get3A_29 : vector<1x2xf32> to vector<64x2xf32>
    %add3A_31 = arith.addf %dot_general3A_26, %add3A_30 : vector<64x2xf32>
    %swap3A = arith.constant 0 : index
    %swap3A_32 = arith.constant 0 : index
    %swap3A_33 = vector.load %arg7[%swap3A, %swap3A_32] : memref<64x2xf32, #tpu.memory_space<vmem>>, vector<64x2xf32>
    tpu.vector_store %arg7[%swap3A, %swap3A_32], %add3A_31 {strides = array<i32>} : memref<64x2xf32, #tpu.memory_space<vmem>>, vector<64x2xf32>,
    return
  }
}

</mosaic_0001>

<sc_bundles>
// kernel: gather_offload_async_start.1
scs
__scs_entry_jumppad:
0x0: {  	(pc) =	sbr.rel $0x88, $3  }
0x1: {  	(tag) =	ssettag $0x0;
	lr =	simm.s32 $0x1  }
0x2: {  	[smem:$0x3F8D] =	sst lr;
	_ =	strace $0xD0000000  }
0x3: {  	_ = 	snop  }
0x4: {  	_ = 	snop  }
0x5: {  	_ = 	snop  }
0x6: {  	_ = 	snop  }
0x7: {  	_ = 	snop  }
__scs_overlays_trampoline_lowered:
0x8: {  	[smem:$0x3F9C] =	sst s0  }
0x9: {  	[smem:$0x3F9D] =	sst s1  }
0xa: {  	[smem:$0x3F9E] =	sst s2  }
0xb: {  	[smem:$0x3F9F] =	sst s3  }
0xc: {  	[smem:$0x3FA0] =	sst s4  }
0xd: {  	[smem:$0x3FA1] =	sst s5  }
0xe: {  	[smem:$0x3FA2] =	sst s6  }
0xf: {  	[smem:$0x3FA3] =	sst s7  }
0x10: {  	[smem:$0x3FA4] =	sst s8  }
0x11: {  	[smem:$0x3FA5] =	sst s9;
	s0 =	simm.s32 @!p0 $0x0  }
0x12: {  	s1 =	sld [smem:$0x3F8B];
	s0 =	simm.s32 @p0 $0x1  }
0x13: {  	[smem:$0x3FA6] =	sst s0;
	s0 =	simm.s32 @!p1 $0x0  }
0x14: {  	s2 =	sld [smem:$0x3F8A];
	s0 =	simm.s32 @p1 $0x1  }
0x15: {  	[smem:$0x3FA7] =	sst s0;
	s0 =	simm.s32 @!p2 $0x0  }
0x16: {  	s3 =	sld [smem:$0x3FDB];
	s0 =	simm.s32 @p2 $0x1  }
0x17: {  	s4 =	simm.s32 $0x1BF5;
	[smem:$0x3FA9] =	sst s0  }
0x18: {  	s0 =	sld [smem:$0x3F8C];
	_ =	swait.ge [sflag:s4], $0x0  }
0x19: {  	s7 =	sld [smem:$0x3F8D]  }
0x1a: {  	s8 =	sadd.s32 $0xFFFFE003, lr  }
0x1b: {  	s9 =	sadd.s32 $0xFFFFFEF7, lr;
	s5 =	simm.s32 $0xFFFFFFFF;
	p2 =	slt.u32 s8, $0xFFFFF086  }
0x1c: {  	p1 =	slt.u32 s9, $0xF7A;
	s5 =	simm.s32 @!p2 $0x0  }
0x1d: {  	s5 =	simm.s32 @p1 $0x1;
	p0 =	seq.s32 s7, s2  }
0x1e: {  	s7 =	smul.u32 @!p0 $0xF7A, s2;
	p2 =	seq.s32 @!p0 s5, $0x0  }
0x1f: {  	s9 =	smul.u32 $0xF7A, s1;
	s8 =	simm.s32 @!p0 $0x1BF5;
	p2 =	por !p2, p0  }
0x20: {  	[sflag:s8] =	ssyncset.s32 @!p0 $0xFFFFF086;
	s6 =	sadd.s32 @!p0 s3, s7;
	s7 =	simm.s32 @!p0 $0x108  }
0x21: {  	s3 =	sadd.s32 s3, s9;
	s6 =	sadd.s32 @!p0 $0x88, s6;
	s7 =	simm.s32 @p2 $0x1082  }
0x22: {  	[simem:s7], [sflag:s8] =	dma.local @!p0 [hbm:s6], $0xF7A  }
0x23: {  	s9 =	sor.u32 $0xD0000000, s2;
	s6 =	simm.s32 $0x108;
	_ =	swait.ge @!p0 [sflag:s8], $0x0  }
0x24: {  	s3 =	sadd.s32 $0x88, s3;
	s6 =	simm.s32 @!p1 $0x1082;
	[sflag:s4] =	ssyncset.s32 $0xFFFFF086  }
0x25: {  	[simem:s6], [sflag:s4] =	dma.local [hbm:s3], $0xF7A  }
0x26: {  	[smem:$0x3F8D] =	sst s1;
	(tag) =	ssettag s2;
	_ =	strace s9  }
0x27: {  	s1 =	sld [smem:$0x3F9D]  }
0x28: {  	s2 =	sld [smem:$0x3F9E]  }
0x29: {  	s4 =	sld [smem:$0x3FA0]  }
0x2a: {  	p0 =	seq.s32 s5, $0x0;
	s5 =	sld [smem:$0x3FA1]  }
0x2b: {  	s6 =	sld [smem:$0x3FA2]  }
0x2c: {  	s7 =	sld [smem:$0x3FA3]  }
0x2d: {  	s3 =	simm.s32 $0x108;
	s8 =	sld [smem:$0x3FA4]  }
0x2e: {  	s3 =	simm.s32 @!p0 $0x1082;
	s9 =	sld [smem:$0x3FA5]  }
0x2f: {  	lr =	sadd.s32 s0, s3;
	s0 =	sld [smem:$0x3F9C]  }
0x30: {  	s3 =	sld [smem:$0x3F9F]  }
0x31: {  	[smem:$0x3FA8] =	sst s10  }
0x32: {  	s10 =	sld [smem:$0x3FA6];
	_ =	sdelay $0x3  }
0x33: {  	p0 =	seq.s32 s10, $0x1;
	s10 =	sld [smem:$0x3FA8];
	_ =	sdelay $0x3  }
0x34: {  	[smem:$0x3FA8] =	sst s10  }
0x35: {  	s10 =	sld [smem:$0x3FA7];
	_ =	sdelay $0x3  }
0x36: {  	p1 =	seq.s32 s10, $0x1;
	s10 =	sld [smem:$0x3FA8];
	_ =	sdelay $0x3  }
0x37: {  	[smem:$0x3FA8] =	sst s10  }
0x38: {  	s10 =	sld [smem:$0x3FA9]  }
0x39: {  	_ = 	snop;
	(pc) =	sbr.ind lr, $3  }
0x3a: {  	_ = 	snop  }
0x3b: {  	_ = 	snop  }
0x3c: {  	p2 =	seq.s32 s10, $0x1;
	s10 =	sld [smem:$0x3FA8]  }
0x3d: {  	_ =	shalt  }
0x3e: {  	_ =	shalt  }
0x3f: {  	_ =	shalt  }
0x40: {  	_ =	shalt  }
0x41: {  	_ =	shalt  }
0x42: {  	_ =	shalt  }
0x43: {  	_ =	shalt  }
0x44: {  	_ =	shalt  }
0x45: {  	_ =	shalt  }
0x46: {  	_ =	shalt  }
0x47: {  	_ =	shalt  }
0x48: {  	_ =	shalt  }
0x49: {  	_ =	shalt  }
0x4a: {  	_ =	shalt  }
0x4b: {  	_ =	shalt  }
0x4c: {  	_ =	shalt  }
0x4d: {  	_ =	shalt  }
0x4e: {  	_ =	shalt  }
0x4f: {  	_ =	shalt  }
0x50: {  	_ =	shalt  }
0x51: {  	_ =	shalt  }
0x52: {  	_ =	shalt  }
0x53: {  	_ =	shalt  }
0x54: {  	_ =	shalt  }
0x55: {  	_ =	shalt  }
0x56: {  	_ =	shalt  }
0x57: {  	_ =	shalt  }
0x58: {  	_ =	shalt  }
0x59: {  	_ =	shalt  }
0x5a: {  	_ =	shalt  }
0x5b: {  	_ =	shalt  }
0x5c: {  	_ =	shalt  }
0x5d: {  	_ =	shalt  }
0x5e: {  	_ =	shalt  }
0x5f: {  	_ =	shalt  }
0x60: {  	_ =	shalt  }
0x61: {  	_ =	shalt  }
0x62: {  	_ =	shalt  }
0x63: {  	_ =	shalt  }
0x64: {  	_ =	shalt  }
0x65: {  	_ =	shalt  }
0x66: {  	_ =	shalt  }
0x67: {  	_ =	shalt  }
0x68: {  	_ =	shalt  }
0x69: {  	_ =	shalt  }
0x6a: {  	_ =	shalt  }
0x6b: {  	_ =	shalt  }
0x6c: {  	_ =	shalt  }
0x6d: {  	_ =	shalt  }
0x6e: {  	_ =	shalt  }
0x6f: {  	_ =	shalt  }
0x70: {  	_ =	shalt  }
0x71: {  	_ =	shalt  }
0x72: {  	_ =	shalt  }
0x73: {  	_ =	shalt  }
0x74: {  	_ =	shalt  }
0x75: {  	_ =	shalt  }
0x76: {  	_ =	shalt  }
0x77: {  	_ =	shalt  }
0x78: {  	_ =	shalt  }
0x79: {  	_ =	shalt  }
0x7a: {  	_ =	shalt  }
0x7b: {  	_ =	shalt  }
0x7c: {  	_ =	shalt  }
0x7d: {  	_ =	shalt  }
0x7e: {  	_ =	shalt  }
0x7f: {  	_ =	shalt  }
0x80: {  	_ =	shalt  }
0x81: {  	_ =	shalt  }
0x82: {  	_ =	shalt  }
0x83: {  	_ =	shalt  }
0x84: {  	_ =	shalt  }
0x85: {  	_ =	shalt  }
0x86: {  	_ =	shalt  }
0x87: {  	_ =	shalt  }
.Lfunc_end0:
.L_simem_size_0:
called_computation.1_lowered:
.L_overlay_start_0:
0x88: {  	s2 =	sld [smem:$0x3FD9]  }
0x89: {  	s3 =	sld [smem:$0x3FFE];
	_ =	sdelay $0x1  }
0x8a: {  	s1 =	srdreg.scid  }
0x8b: {  	s0 =	sand.u32 $0x1, s1  }
0x8c: {  	s16 =	sshll.u32 s0, $0xA;
	s2 =	sadd.s32 s3, s2  }
0x8d: {  	s2 =	sadd.s32 s2, s16  }
0x8e: {  	[smem:$0x3FB4] =	sst s2  }
0x8f: {  	_ = 	snop  }
0x90: {  	(tm) =	ssettm $0x1  }
0x91: {  	s17 =	sld [smem:$0x3FFB];
	_ =	sdelay $0x3  }
0x92: {  	_ =	strace s17  }
0x93: {  	s2 =	sld [smem:$0x3FFC];
	_ =	sdelay $0x3  }
0x94: {  	_ =	strace s2  }
0x95: {  	s2 =	sld [smem:$0x3FFD];
	_ =	sdelay $0x3  }
0x96: {  	_ =	strace s2  }
0x97: {  	_ =	strace $0x8FFFFFFF  }
0x98: {  	s18 =	sld [smem:$0x3FDB];
	_ =	sdelay $0x1  }
0x99: {  	s19 =	simm.s32 $_scs_section_size  }
0x9a: {  	s4 =	simm.s32 $_size__tile_overlayer_lowered;
	s5 =	simm.s32 $_tile_overlayer_lowered  }
0x9b: {  	s22 =	simm.s32 $0x1BFF;
	s21 =	sshll.u32 s5, $0x1;
	s2 =	sadd.s32 s19, s18  }
0x9c: {  	s6 =	simm.s32 $0x0;
	s20 =	sshll.u32 s4, $0x1;
	s4 =	sadd.s32 s21, s2  }
0x9d: {  	[timem:s6], [sflag:s22] =	dma.local [hbm:s4], s20  }
0x9e: {  	_ =	swait.ge [sflag:s22], s20  }
0x9f: {  	s3 =	ssub.s32 $0x0, s20;
	[sflag:s22] =	ssyncset.done $0x0  }
0xa0: {  	[sflag:s22] =	ssyncadd.s32 s3;
	_ =	sdelay $0x1  }
0xa1: {  	s23 =	simm.s32 $0x1B8B  }
0xa2: {  	_ =	swait.ge [sflag:s23], $0x1  }
0xa3: {  	[sflag:s23] =	ssyncset.done $0x0  }
0xa4: {  	s25 =	simm.s32 $0x1B8E;
	s24 =	sld [smem:$0x3FFE];
	[sflag:s23] =	ssyncadd.s32 $0xFFFFFFFF  }
0xa5: {  	s26 =	simm.s32 $execute0_lowered;
	[smem:$0x3FD2] =	sst s25  }
0xa6: {  	s4 =	sshll.u32 s26, $0x1;
	_ =	strace $0x80000046;
	[dreg:$0x1] =	wrdreg $0xFFFFFFFF  }
0xa7: {  	s28 =	simm.s32 $_size_execute0_lowered;
	s2 =	sadd.s32 s2, s4;
	[dreg:$0x0] =	wrdreg $0x0  }
0xa8: {  	s4 =	sshll.u32 s28, $0x1;
	[dreg:$0x2] =	wrdreg s2  }
0xa9: {  	[dreg:$0x3] =	wrdreg s4  }
0xaa: {  	[dreg:$0x4] =	wrdreg $0xC0  }
0xab: {  	_ =	task [dreg:s6], $0x5FFFF  }
0xac: {  	[dreg:$0x1] =	wrdreg $0xFFFFFFFF  }
0xad: {  	[dreg:$0x0] =	wrdreg $0x60  }
0xae: {  	[dreg:$0x2] =	wrdreg s24  }
0xaf: {  	[dreg:$0x3] =	wrdreg $0x9  }
0xb0: {  	_ =	task.clear_ibuf [dreg:s6], $0x4FFFF;
	_ =	strace $0x90000046  }
0xb1: {  	s29 =	simm.s32 $0x9;
	_ =	strace $0x80000048  }
0xb2: {  	_ =	swait.ge [sflag:s29], $0x1  }
0xb3: {  	[sflag:s29] =	ssyncadd.s32 $0xFFFFFFFF  }
0xb4: {  	_ =	strace $0x90000048  }
0xb5: {  	_ =	sfence  }
0xb6: {  	s30 =	sld [smem:$0x0];
	_ =	sdelay $0x2  }
0xb7: {  	s31 =	sshll.u32 s1, $0xD;
	s1 =	sshrl.u32 s1, $0x2  }
0xb8: {  	s3 =	sand.u32 $0x4000, s31;
	s1 =	sadd.s32 s1, s30  }
0xb9: {  	s0 =	sor.u32 s3, s0;
	s1 =	sshll.u32 s1, $0x11  }
0xba: {  	s0 =	sor.u32 s1, s0  }
0xbb: {  	s0 =	sadd.s32 $0x8F2B, s0  }
0xbc: {  	[sflag:s0] =	ssyncadd.remote.s32 $0x1  }
0xbd: {  	_ =	sfence.sel $0xFFFF  }
0xbe: {  	[dreg:$0x0] =	wrdreg $0xFFFFFFFF;
	(pc) =	sbr.abs _section_cstart, $3  }
0xbf: {  	[dreg:$0x1] =	wrdreg $0xFFFFFFFF  }
0xc0: {  	_ =	task.clear_ibuf [dreg:s6], $0x2FFFF;
	_ =	strace $0x9FFFFFFF  }
0xc1: {  	(tm) =	ssettm $0x7FFFFFFF  }
tec
execute0_lowered:
.L_overlay_start_1:
0x0: {  	(tag) =	ssettag $0x1  }
0x1: {  	s8 =	rddreg [dreg:$0x0]  }
0x2: {  	s0 =	rddreg [dreg:$0x1];
	_ =	strace $0x80000047;
	s1 =	stileid.u32  }
0x3: {  	s3 =	srdreg.scid;
	s4 =	simm.s32 $0x1;
	s7 =	simm.s32 $0x1  }
0x4: {  	s9 =	simm.s32 $0x1;
	s10 =	simm.s32 $0x3;
	s13 =	simm.s32 $0x0  }
0x5: {  	s12 =	simm.s32 $0x0;
	s5 =	sand.u32 $0x1, s3;
	s6 =	sshll.u32 s1, $0x1  }
0x6: {  	s2 =	sadd.s32 $0x37A00, s8;
	s3 =	sadd.s32 $0x41800, s8;
	s5 =	sor.u32 s6, s5  }
.Ltmp0:
0x7: {  	[sflag:s4] =	ssyncpa.u1 $0x0;
	p0 =	slt.u32 s5, $0x9;
	(pc) =	sbr.rel .LBB2_1-.Ltmp0, $4  }
0x8: {  	s6 =	simm.s32 $0x2;
	s7 =	simm.s32 @!p0 $0x0;
	p0 =	sne.s32 s5, $0x8  }
0x9: {  	[sflag:s6] =	ssyncpa.u1 $0x0;
	s5 =	smul.u32 $0x1F40, s5;
	s9 =	simm.s32 @!p0 $0x0  }
0xa: {  	s8 =	sadd.s32 $0x4B600, s8;
	[sflag:s10] =	ssyncpa.u1 $0x0;
	s7 =	sadd.s32 s9, s7  }
0xb: {  	vm0 =	vmmov $0xffff;
	s10 =	simm.s32 $0x0;
	s11 =	smov.u32 s5;
	s9 =	sadd.s32 $0x1, s7  }
.LBB2_4:
0xc: {  	v2 =	vnsel vm1, $0x0, v2  }
0xd: {  	vm1 =	vgt.s32 v0, $0x0;
	v2 =	vmin.u32 v2, $0x4E1FF  }
0xe: {  	v0 =	vnsel vm1, $0x0, v0  }
0xf: {  	v0 =	vmin.u32 v0, $0x4E1FF  }
0x10: {  	[tilespmem:s18], [sflag:$0x1] =	stream.indirect_vreg.gather [hbm4b:s2+s10], $0x1, v1, vm0, $0x4038;
	[tilespmem:$0x7D00] =	vst v63  }
0x11: {  	(ifvalue) =	ssetifvalue $0x7FFFFFFF  }
0x12: {  	[tilespmem:s15], [sflag:$0x1] =	stream.indirect_vreg.gather [hbm4b:s2+s10], $0x1, v2, vm0, $0x4038;
	[tilespmem:$0x7D00] =	vst v63  }
0x13: {  	s29 =	sadd.s32 $0x10, s15;
	(ifvalue) =	ssetifvalue $0x7FFFFFFF  }
0x14: {  	[tilespmem:s29], [sflag:$0x1] =	stream.indirect_vreg.gather [hbm4b:s2+s10], $0x1, v0, vm0, $0x4038;
	[tilespmem:$0x7D00] =	vst v63  }
0x15: {  	_ =	swait.ge [sflag:s4], $0x1F40  }
0x16: {  	s30 =	sshrl.u32 s13, $0x3;
	[sflag:s4] =	ssyncset.done $0x0  }
0x17: {  	s31 =	sand.u32 $0x7, s13;
	s15 =	sadd.s32 s8, s30;
	[sflag:s4] =	ssyncadd.s32 $0xFFFFE0C0  }
0x18: {  	[hbm4b:s15+s31] =	stream.linear.scatter [tilespmem:s14], [sflag:$0x3], $0x1F40, $0x38;
	[tilespmem:$0x7D00] =	vst v63  }
.LBB2_5:
0x19: {  	s15 =	sadd.s32 $0x3E800, s11  }
0x1a: {  	p1 =	sgt.s32 s15, $0x4E1FF  }
0x1b: {  	s15 =	smov.u32 @p1 s5;
	p1 =	sne.s32 s12, s9  }
.Ltmp1:
0x1c: {  	p0 =	slt.u32 s12, $0x2;
	(pc) =	sbr.rel @!p1 .LBB2_6-.Ltmp1, $4  }
0x1d: {  	s14 =	simm.s32 @!p0 $0x3  }
0x1e: {  	_ =	swait.ge @!p0 [sflag:s14], $0x1F40  }
0x1f: {  	s16 =	sadd.s32 $0x1, s12;
	s13 =	smov.u32 s11;
	[sflag:s14] =	ssyncset.done @!p0 $0x0  }
0x20: {  	s12 =	smov.u32 s16;
	s11 =	smov.u32 s15;
	[sflag:s14] =	ssyncadd.s32 @!p0 $0xFFFFE0C0  }
.LBB2_1:
0x21: {  	p0 =	sge.u32 s12, s7  }
0x22: {  	s14 =	sxor.u32 @!p0 $0x1, s12  }
0x23: {  	s14 =	smul.u32 @!p0 $0x7D00, s14  }
0x24: {  	s31 =	sadd.s32 $0xFFFFFFFF, s12;
	s15 =	sshrl.u32 @!p0 s11, $0x3  }
0x25: {  	s16 =	sand.u32 @!p0 $0x7, s11;
	s15 =	sadd.s32 @!p0 s3, s15;
	s14 =	sshra.s32 @!p0 s14, $0x2  }
0x26: {  	[tilespmem:s14], [sflag:$0x2] =	stream.linear.gather @!p0 [hbm4b:s15+s16], $0x1F40, $0x38;
	[tilespmem:$0x7D00] =	vst v63  }
0x27: {  	p0 =	sge.u32 s31, s7  }
.Ltmp2:
0x28: {  	_ = 	snop;
	(pc) =	sbr.rel @p0 .LBB2_5-.Ltmp2, $1  }
0x29: {  	_ =	sdelay $0x3  }
0x2a: {  	s14 =	sand.u32 $0x1, s12  }
0x2b: {  	_ =	swait.ge [sflag:s6], $0x1F40;
	p0 =	seq.s32 s14, $0x1;
	s14 =	simm.s32 $0x1F40  }
0x2c: {  	[sflag:s6] =	ssyncset.done $0x0;
	s14 =	simm.s32 @!p0 $0x0  }
0x2d: {  	[sflag:s6] =	ssyncadd.s32 $0xFFFFE0C0;
	(ifvalue) =	ssetifvalue $0x7FFFFFFF;
	v0 =	vld.msk [tilespmem:s14+$0x0 ss:$0x1], $0xffff;
	_ =	sdelay $0x4  }
0x2e: {  	s15 =	sadd.s32 $0x10, s14;
	vm1 =	vgt.s32 v0, $0x0  }
0x2f: {  	v2 =	vld.msk [tilespmem:s15+$0x0 ss:$0x1], $0xffff;
	v1 =	vnsel vm1, $0x0, v0  }
0x30: {  	v1 =	vmin.u32 v1, $0x4E1FF;
	_ =	sdelay $0x2  }
0x31: {  	s17 =	simm.s32 $0x20;
	s14 =	sadd.s32 $0x3E80, s14;
	s16 =	sadd.s32 $0x10, s15  }
0x32: {  	s15 =	sadd.s32 $0x10, s14;
	s18 =	smov.u32 s14;
	v0 =	vld.msk [tilespmem:s16+$0x0 ss:$0x1], $0xffff;
	vm1 =	vgt.s32 v2, $0x0;
	(ifvalue) =	ssetifvalue $0x7FFFFFFF  }
.LBB2_3:
0x33: {  	[tilespmem:s18], [sflag:$0x1] =	stream.indirect_vreg.gather [hbm4b:s2+s10], $0x1, v1, vm0, $0x4038;
	[tilespmem:$0x7D00] =	vst v63  }
0x34: {  	s17 =	sadd.s32 $0x10, s17  }
0x35: {  	v2 =	vnsel vm1, $0x0, v2;
	p0 =	slt.u32 s17, $0x1F30  }
.Ltmp3:
0x36: {  	s18 =	smov.u32 s15;
	v1 =	vmin.u32 v2, $0x4E1FF;
	(pc) =	sbr.rel @p0 .LBB2_3-.Ltmp3, $3  }
0x37: {  	_ =	sdelay $0x1  }
0x38: {  	s16 =	sadd.s32 $0x10, s16  }
0x39: {  	vm1 =	vgt.s32 v0, $0x0;
	s15 =	sadd.s32 $0x10, s15;
	v2 =	vmov v0;
	(ifvalue) =	ssetifvalue $0x7FFFFFFF;
	v0 =	vld.msk [tilespmem:s16+$0x0 ss:$0x1], $0xffff  }
.Ltmp4:
0x3a: {  	_ = 	snop;
	(pc) =	sbr.rel .LBB2_4-.Ltmp4, $1  }
0x3b: {  	_ =	sdelay $0x3  }
.LBB2_6:
0x3c: {  	_ =	sfence.sel $0x180000  }
0x3d: {  	s2 =	simm.s32 $0x2;
	[bflag:$0x0] =	sbarrier.arrive $0xFFFF  }
0x3e: {  	s30 =	simm.s32 $0x3;
	[sflag:s2] =	ssyncpa.u1 $0x1  }
0x3f: {  	s31 =	simm.s32 $0x1;
	[sflag:s30] =	ssyncpa.u1 $0x1  }
0x40: {  	[sflag:s31] =	ssyncpa.u1 $0x1  }
0x41: {  	p0 =	sne.s32 s1, $0x0;
	_ =	strace $0x90000047  }
0x42: {  	s0 =	sadd.s32 @!p0 $0x100000, s0;
	[bflag:$0x2] =	sbarrier.arrive $0xFFFF  }
0x43: {  	[sflag:s0] =	ssyncadd.tile.s32 @!p0 $0x1;
	_ =	shalt  }
.Lfunc_end2:
_tile_overlayer_lowered:
.L_overlay_start_2:
0x44: {  	(tag) =	ssettag $0x2  }
0x45: {  	s0 =	rddreg [dreg:$0x0];
	s2 =	stileid.u32  }
0x46: {  	s1 =	rddreg [dreg:$0x1];
	p0 =	sne.s32 s2, $0x0  }
0x47: {  	s3 =	rddreg [dreg:$0x2];
	[bflag:$0x3] =	sbarrier.arrive $0xFFFF;
	s2 =	simm.s32 @!p0 $0x1C01  }
0x48: {  	[timem:s3], [sflag:s2] =	dma.local @!p0 [hbm:s0], s1  }
0x49: {  	s0 =	simm.s32 @!p0 $0x1  }
0x4a: {  	_ =	swait.ge @!p0 [sflag:s0], s1  }
0x4b: {  	s1 =	ssub.s32 @!p0 $0x0, s1;
	[sflag:s0] =	ssyncset.done @!p0 $0x0  }
0x4c: {  	[sflag:s0] =	ssyncadd.s32 @!p0 s1  }
0x4d: {  	[bflag:$0x3] =	sbarrier.arrive $0xFFFF  }
0x4e: {  	_ =	shalt  }

// kernel: gather_offload_async_start
scs
__scs_entry_jumppad:
0x0: {  	(pc) =	sbr.rel $0x88, $3  }
0x1: {  	(tag) =	ssettag $0x0;
	lr =	simm.s32 $0x1  }
0x2: {  	[smem:$0x3F8D] =	sst lr;
	_ =	strace $0xD0000000  }
0x3: {  	_ = 	snop  }
0x4: {  	_ = 	snop  }
0x5: {  	_ = 	snop  }
0x6: {  	_ = 	snop  }
0x7: {  	_ = 	snop  }
__scs_overlays_trampoline_lowered:
0x8: {  	[smem:$0x3F9C] =	sst s0  }
0x9: {  	[smem:$0x3F9D] =	sst s1  }
0xa: {  	[smem:$0x3F9E] =	sst s2  }
0xb: {  	[smem:$0x3F9F] =	sst s3  }
0xc: {  	[smem:$0x3FA0] =	sst s4  }
0xd: {  	[smem:$0x3FA1] =	sst s5  }
0xe: {  	[smem:$0x3FA2] =	sst s6  }
0xf: {  	[smem:$0x3FA3] =	sst s7  }
0x10: {  	[smem:$0x3FA4] =	sst s8  }
0x11: {  	[smem:$0x3FA5] =	sst s9;
	s0 =	simm.s32 @!p0 $0x0  }
0x12: {  	s1 =	sld [smem:$0x3F8B];
	s0 =	simm.s32 @p0 $0x1  }
0x13: {  	[smem:$0x3FA6] =	sst s0;
	s0 =	simm.s32 @!p1 $0x0  }
0x14: {  	s2 =	sld [smem:$0x3F8A];
	s0 =	simm.s32 @p1 $0x1  }
0x15: {  	[smem:$0x3FA7] =	sst s0;
	s0 =	simm.s32 @!p2 $0x0  }
0x16: {  	s3 =	sld [smem:$0x3FDB];
	s0 =	simm.s32 @p2 $0x1  }
0x17: {  	s4 =	simm.s32 $0x1BF5;
	[smem:$0x3FA9] =	sst s0  }
0x18: {  	s0 =	sld [smem:$0x3F8C];
	_ =	swait.ge [sflag:s4], $0x0  }
0x19: {  	s7 =	sld [smem:$0x3F8D]  }
0x1a: {  	s8 =	sadd.s32 $0xFFFFE003, lr  }
0x1b: {  	s9 =	sadd.s32 $0xFFFFFEF7, lr;
	s5 =	simm.s32 $0xFFFFFFFF;
	p2 =	slt.u32 s8, $0xFFFFF086  }
0x1c: {  	p1 =	slt.u32 s9, $0xF7A;
	s5 =	simm.s32 @!p2 $0x0  }
0x1d: {  	s5 =	simm.s32 @p1 $0x1;
	p0 =	seq.s32 s7, s2  }
0x1e: {  	s7 =	smul.u32 @!p0 $0xF7A, s2;
	p2 =	seq.s32 @!p0 s5, $0x0  }
0x1f: {  	s9 =	smul.u32 $0xF7A, s1;
	s8 =	simm.s32 @!p0 $0x1BF5;
	p2 =	por !p2, p0  }
0x20: {  	[sflag:s8] =	ssyncset.s32 @!p0 $0xFFFFF086;
	s6 =	sadd.s32 @!p0 s3, s7;
	s7 =	simm.s32 @!p0 $0x108  }
0x21: {  	s3 =	sadd.s32 s3, s9;
	s6 =	sadd.s32 @!p0 $0x88, s6;
	s7 =	simm.s32 @p2 $0x1082  }
0x22: {  	[simem:s7], [sflag:s8] =	dma.local @!p0 [hbm:s6], $0xF7A  }
0x23: {  	s9 =	sor.u32 $0xD0000000, s2;
	s6 =	simm.s32 $0x108;
	_ =	swait.ge @!p0 [sflag:s8], $0x0  }
0x24: {  	s3 =	sadd.s32 $0x88, s3;
	s6 =	simm.s32 @!p1 $0x1082;
	[sflag:s4] =	ssyncset.s32 $0xFFFFF086  }
0x25: {  	[simem:s6], [sflag:s4] =	dma.local [hbm:s3], $0xF7A  }
0x26: {  	[smem:$0x3F8D] =	sst s1;
	(tag) =	ssettag s2;
	_ =	strace s9  }
0x27: {  	s1 =	sld [smem:$0x3F9D]  }
0x28: {  	s2 =	sld [smem:$0x3F9E]  }
0x29: {  	s4 =	sld [smem:$0x3FA0]  }
0x2a: {  	p0 =	seq.s32 s5, $0x0;
	s5 =	sld [smem:$0x3FA1]  }
0x2b: {  	s6 =	sld [smem:$0x3FA2]  }
0x2c: {  	s7 =	sld [smem:$0x3FA3]  }
0x2d: {  	s3 =	simm.s32 $0x108;
	s8 =	sld [smem:$0x3FA4]  }
0x2e: {  	s3 =	simm.s32 @!p0 $0x1082;
	s9 =	sld [smem:$0x3FA5]  }
0x2f: {  	lr =	sadd.s32 s0, s3;
	s0 =	sld [smem:$0x3F9C]  }
0x30: {  	s3 =	sld [smem:$0x3F9F]  }
0x31: {  	[smem:$0x3FA8] =	sst s10  }
0x32: {  	s10 =	sld [smem:$0x3FA6];
	_ =	sdelay $0x3  }
0x33: {  	p0 =	seq.s32 s10, $0x1;
	s10 =	sld [smem:$0x3FA8];
	_ =	sdelay $0x3  }
0x34: {  	[smem:$0x3FA8] =	sst s10  }
0x35: {  	s10 =	sld [smem:$0x3FA7];
	_ =	sdelay $0x3  }
0x36: {  	p1 =	seq.s32 s10, $0x1;
	s10 =	sld [smem:$0x3FA8];
	_ =	sdelay $0x3  }
0x37: {  	[smem:$0x3FA8] =	sst s10  }
0x38: {  	s10 =	sld [smem:$0x3FA9]  }
0x39: {  	_ = 	snop;
	(pc) =	sbr.ind lr, $3  }
0x3a: {  	_ = 	snop  }
0x3b: {  	_ = 	snop  }
0x3c: {  	p2 =	seq.s32 s10, $0x1;
	s10 =	sld [smem:$0x3FA8]  }
0x3d: {  	_ =	shalt  }
0x3e: {  	_ =	shalt  }
0x3f: {  	_ =	shalt  }
0x40: {  	_ =	shalt  }
0x41: {  	_ =	shalt  }
0x42: {  	_ =	shalt  }
0x43: {  	_ =	shalt  }
0x44: {  	_ =	shalt  }
0x45: {  	_ =	shalt  }
0x46: {  	_ =	shalt  }
0x47: {  	_ =	shalt  }
0x48: {  	_ =	shalt  }
0x49: {  	_ =	shalt  }
0x4a: {  	_ =	shalt  }
0x4b: {  	_ =	shalt  }
0x4c: {  	_ =	shalt  }
0x4d: {  	_ =	shalt  }
0x4e: {  	_ =	shalt  }
0x4f: {  	_ =	shalt  }
0x50: {  	_ =	shalt  }
0x51: {  	_ =	shalt  }
0x52: {  	_ =	shalt  }
0x53: {  	_ =	shalt  }
0x54: {  	_ =	shalt  }
0x55: {  	_ =	shalt  }
0x56: {  	_ =	shalt  }
0x57: {  	_ =	shalt  }
0x58: {  	_ =	shalt  }
0x59: {  	_ =	shalt  }
0x5a: {  	_ =	shalt  }
0x5b: {  	_ =	shalt  }
0x5c: {  	_ =	shalt  }
0x5d: {  	_ =	shalt  }
0x5e: {  	_ =	shalt  }
0x5f: {  	_ =	shalt  }
0x60: {  	_ =	shalt  }
0x61: {  	_ =	shalt  }
0x62: {  	_ =	shalt  }
0x63: {  	_ =	shalt  }
0x64: {  	_ =	shalt  }
0x65: {  	_ =	shalt  }
0x66: {  	_ =	shalt  }
0x67: {  	_ =	shalt  }
0x68: {  	_ =	shalt  }
0x69: {  	_ =	shalt  }
0x6a: {  	_ =	shalt  }
0x6b: {  	_ =	shalt  }
0x6c: {  	_ =	shalt  }
0x6d: {  	_ =	shalt  }
0x6e: {  	_ =	shalt  }
0x6f: {  	_ =	shalt  }
0x70: {  	_ =	shalt  }
0x71: {  	_ =	shalt  }
0x72: {  	_ =	shalt  }
0x73: {  	_ =	shalt  }
0x74: {  	_ =	shalt  }
0x75: {  	_ =	shalt  }
0x76: {  	_ =	shalt  }
0x77: {  	_ =	shalt  }
0x78: {  	_ =	shalt  }
0x79: {  	_ =	shalt  }
0x7a: {  	_ =	shalt  }
0x7b: {  	_ =	shalt  }
0x7c: {  	_ =	shalt  }
0x7d: {  	_ =	shalt  }
0x7e: {  	_ =	shalt  }
0x7f: {  	_ =	shalt  }
0x80: {  	_ =	shalt  }
0x81: {  	_ =	shalt  }
0x82: {  	_ =	shalt  }
0x83: {  	_ =	shalt  }
0x84: {  	_ =	shalt  }
0x85: {  	_ =	shalt  }
0x86: {  	_ =	shalt  }
0x87: {  	_ =	shalt  }
.Lfunc_end0:
.L_simem_size_0:
called_computation_lowered:
.L_overlay_start_0:
0x88: {  	s2 =	sld [smem:$0x3FD9]  }
0x89: {  	s3 =	sld [smem:$0x3FFE];
	_ =	sdelay $0x1  }
0x8a: {  	s1 =	srdreg.scid  }
0x8b: {  	s0 =	sand.u32 $0x1, s1  }
0x8c: {  	s16 =	sshll.u32 s0, $0xA;
	s2 =	sadd.s32 s3, s2  }
0x8d: {  	s2 =	sadd.s32 s2, s16  }
0x8e: {  	[smem:$0x3FB4] =	sst s2  }
0x8f: {  	_ = 	snop  }
0x90: {  	(tm) =	ssettm $0x1  }
0x91: {  	s17 =	sld [smem:$0x3FFB];
	_ =	sdelay $0x3  }
0x92: {  	_ =	strace s17  }
0x93: {  	s2 =	sld [smem:$0x3FFC];
	_ =	sdelay $0x3  }
0x94: {  	_ =	strace s2  }
0x95: {  	s2 =	sld [smem:$0x3FFD];
	_ =	sdelay $0x3  }
0x96: {  	_ =	strace s2  }
0x97: {  	_ =	strace $0x8FFFFFFF  }
0x98: {  	s18 =	sld [smem:$0x3FDB];
	_ =	sdelay $0x1  }
0x99: {  	s19 =	simm.s32 $_scs_section_size  }
0x9a: {  	s4 =	simm.s32 $_size__tile_overlayer_lowered;
	s5 =	simm.s32 $_tile_overlayer_lowered  }
0x9b: {  	s22 =	simm.s32 $0x1BFF;
	s21 =	sshll.u32 s5, $0x1;
	s2 =	sadd.s32 s19, s18  }
0x9c: {  	s6 =	simm.s32 $0x0;
	s20 =	sshll.u32 s4, $0x1;
	s4 =	sadd.s32 s21, s2  }
0x9d: {  	[timem:s6], [sflag:s22] =	dma.local [hbm:s4], s20  }
0x9e: {  	_ =	swait.ge [sflag:s22], s20  }
0x9f: {  	s3 =	ssub.s32 $0x0, s20;
	[sflag:s22] =	ssyncset.done $0x0  }
0xa0: {  	[sflag:s22] =	ssyncadd.s32 s3;
	_ =	sdelay $0x1  }
0xa1: {  	s23 =	simm.s32 $0x1B8B  }
0xa2: {  	_ =	swait.ge [sflag:s23], $0x1  }
0xa3: {  	[sflag:s23] =	ssyncset.done $0x0  }
0xa4: {  	s25 =	simm.s32 $0x1B8E;
	s24 =	sld [smem:$0x3FFE];
	[sflag:s23] =	ssyncadd.s32 $0xFFFFFFFF  }
0xa5: {  	s26 =	simm.s32 $execute0_lowered;
	[smem:$0x3FD2] =	sst s25  }
0xa6: {  	s4 =	sshll.u32 s26, $0x1;
	_ =	strace $0x80000049;
	[dreg:$0x1] =	wrdreg $0xFFFFFFFF  }
0xa7: {  	s28 =	simm.s32 $_size_execute0_lowered;
	s2 =	sadd.s32 s2, s4;
	[dreg:$0x0] =	wrdreg $0x0  }
0xa8: {  	s4 =	sshll.u32 s28, $0x1;
	[dreg:$0x2] =	wrdreg s2  }
0xa9: {  	[dreg:$0x3] =	wrdreg s4  }
0xaa: {  	[dreg:$0x4] =	wrdreg $0xC0  }
0xab: {  	_ =	task [dreg:s6], $0x5FFFF  }
0xac: {  	[dreg:$0x1] =	wrdreg $0xFFFFFFFF  }
0xad: {  	[dreg:$0x0] =	wrdreg $0x60  }
0xae: {  	[dreg:$0x2] =	wrdreg s24  }
0xaf: {  	[dreg:$0x3] =	wrdreg $0x9  }
0xb0: {  	_ =	task.clear_ibuf [dreg:s6], $0x4FFFF;
	_ =	strace $0x90000049  }
0xb1: {  	s29 =	simm.s32 $0x9;
	_ =	strace $0x8000004B  }
0xb2: {  	_ =	swait.ge [sflag:s29], $0x1  }
0xb3: {  	[sflag:s29] =	ssyncadd.s32 $0xFFFFFFFF  }
0xb4: {  	_ =	strace $0x9000004B  }
0xb5: {  	_ =	sfence  }
0xb6: {  	s30 =	sld [smem:$0x0];
	_ =	sdelay $0x2  }
0xb7: {  	s31 =	sshll.u32 s1, $0xD;
	s1 =	sshrl.u32 s1, $0x2  }
0xb8: {  	s3 =	sand.u32 $0x4000, s31;
	s1 =	sadd.s32 s1, s30  }
0xb9: {  	s0 =	sor.u32 s3, s0;
	s1 =	sshll.u32 s1, $0x11  }
0xba: {  	s0 =	sor.u32 s1, s0  }
0xbb: {  	s0 =	sadd.s32 $0x8F2B, s0  }
0xbc: {  	[sflag:s0] =	ssyncadd.remote.s32 $0x1  }
0xbd: {  	_ =	sfence.sel $0xFFFF  }
0xbe: {  	[dreg:$0x0] =	wrdreg $0xFFFFFFFF;
	(pc) =	sbr.abs _section_cstart, $3  }
0xbf: {  	[dreg:$0x1] =	wrdreg $0xFFFFFFFF  }
0xc0: {  	_ =	task.clear_ibuf [dreg:s6], $0x2FFFF;
	_ =	strace $0x9FFFFFFF  }
0xc1: {  	(tm) =	ssettm $0x7FFFFFFF  }
tec
execute0_lowered:
.L_overlay_start_1:
0x0: {  	(tag) =	ssettag $0x1  }
0x1: {  	s8 =	rddreg [dreg:$0x0]  }
0x2: {  	s0 =	rddreg [dreg:$0x1];
	_ =	strace $0x8000004A;
	s1 =	stileid.u32  }
0x3: {  	s3 =	srdreg.scid;
	s4 =	simm.s32 $0x1;
	s7 =	simm.s32 $0x1  }
0x4: {  	s9 =	simm.s32 $0x1;
	s10 =	simm.s32 $0x3;
	s13 =	simm.s32 $0x0  }
0x5: {  	s12 =	simm.s32 $0x0;
	s5 =	sand.u32 $0x1, s3;
	s6 =	sshll.u32 s1, $0x1  }
0x6: {  	s2 =	sadd.s32 $0x2DC00, s8;
	s3 =	sadd.s32 $0x41800, s8;
	s5 =	sor.u32 s6, s5  }
.Ltmp0:
0x7: {  	[sflag:s4] =	ssyncpa.u1 $0x0;
	p0 =	slt.u32 s5, $0x9;
	(pc) =	sbr.rel .LBB2_1-.Ltmp0, $4  }
0x8: {  	s6 =	simm.s32 $0x2;
	s7 =	simm.s32 @!p0 $0x0;
	p0 =	sne.s32 s5, $0x8  }
0x9: {  	[sflag:s6] =	ssyncpa.u1 $0x0;
	s5 =	smul.u32 $0x1F40, s5;
	s9 =	simm.s32 @!p0 $0x0  }
0xa: {  	s8 =	sadd.s32 $0x37A00, s8;
	[sflag:s10] =	ssyncpa.u1 $0x0;
	s7 =	sadd.s32 s9, s7  }
0xb: {  	vm0 =	vmmov $0xffff;
	s10 =	simm.s32 $0x0;
	s11 =	smov.u32 s5;
	s9 =	sadd.s32 $0x1, s7  }
.LBB2_4:
0xc: {  	v2 =	vnsel vm1, $0x0, v2  }
0xd: {  	vm1 =	vgt.s32 v0, $0x0;
	v2 =	vmin.u32 v2, $0x4E1FF  }
0xe: {  	v0 =	vnsel vm1, $0x0, v0  }
0xf: {  	v0 =	vmin.u32 v0, $0x4E1FF  }
0x10: {  	[tilespmem:s18], [sflag:$0x1] =	stream.indirect_vreg.gather [hbm4b:s2+s10], $0x1, v1, vm0, $0x4038;
	[tilespmem:$0x7D00] =	vst v63  }
0x11: {  	(ifvalue) =	ssetifvalue $0x7FFFFFFF  }
0x12: {  	[tilespmem:s15], [sflag:$0x1] =	stream.indirect_vreg.gather [hbm4b:s2+s10], $0x1, v2, vm0, $0x4038;
	[tilespmem:$0x7D00] =	vst v63  }
0x13: {  	s29 =	sadd.s32 $0x10, s15;
	(ifvalue) =	ssetifvalue $0x7FFFFFFF  }
0x14: {  	[tilespmem:s29], [sflag:$0x1] =	stream.indirect_vreg.gather [hbm4b:s2+s10], $0x1, v0, vm0, $0x4038;
	[tilespmem:$0x7D00] =	vst v63  }
0x15: {  	_ =	swait.ge [sflag:s4], $0x1F40  }
0x16: {  	s30 =	sshrl.u32 s13, $0x3;
	[sflag:s4] =	ssyncset.done $0x0  }
0x17: {  	s31 =	sand.u32 $0x7, s13;
	s15 =	sadd.s32 s8, s30;
	[sflag:s4] =	ssyncadd.s32 $0xFFFFE0C0  }
0x18: {  	[hbm4b:s15+s31] =	stream.linear.scatter [tilespmem:s14], [sflag:$0x3], $0x1F40, $0x38;
	[tilespmem:$0x7D00] =	vst v63  }
.LBB2_5:
0x19: {  	s15 =	sadd.s32 $0x3E800, s11  }
0x1a: {  	p1 =	sgt.s32 s15, $0x4E1FF  }
0x1b: {  	s15 =	smov.u32 @p1 s5;
	p1 =	sne.s32 s12, s9  }
.Ltmp1:
0x1c: {  	p0 =	slt.u32 s12, $0x2;
	(pc) =	sbr.rel @!p1 .LBB2_6-.Ltmp1, $4  }
0x1d: {  	s14 =	simm.s32 @!p0 $0x3  }
0x1e: {  	_ =	swait.ge @!p0 [sflag:s14], $0x1F40  }
0x1f: {  	s16 =	sadd.s32 $0x1, s12;
	s13 =	smov.u32 s11;
	[sflag:s14] =	ssyncset.done @!p0 $0x0  }
0x20: {  	s12 =	smov.u32 s16;
	s11 =	smov.u32 s15;
	[sflag:s14] =	ssyncadd.s32 @!p0 $0xFFFFE0C0  }
.LBB2_1:
0x21: {  	p0 =	sge.u32 s12, s7  }
0x22: {  	s14 =	sxor.u32 @!p0 $0x1, s12  }
0x23: {  	s14 =	smul.u32 @!p0 $0x7D00, s14  }
0x24: {  	s31 =	sadd.s32 $0xFFFFFFFF, s12;
	s15 =	sshrl.u32 @!p0 s11, $0x3  }
0x25: {  	s16 =	sand.u32 @!p0 $0x7, s11;
	s15 =	sadd.s32 @!p0 s3, s15;
	s14 =	sshra.s32 @!p0 s14, $0x2  }
0x26: {  	[tilespmem:s14], [sflag:$0x2] =	stream.linear.gather @!p0 [hbm4b:s15+s16], $0x1F40, $0x38;
	[tilespmem:$0x7D00] =	vst v63  }
0x27: {  	p0 =	sge.u32 s31, s7  }
.Ltmp2:
0x28: {  	_ = 	snop;
	(pc) =	sbr.rel @p0 .LBB2_5-.Ltmp2, $1  }
0x29: {  	_ =	sdelay $0x3  }
0x2a: {  	s14 =	sand.u32 $0x1, s12  }
0x2b: {  	_ =	swait.ge [sflag:s6], $0x1F40;
	p0 =	seq.s32 s14, $0x1;
	s14 =	simm.s32 $0x1F40  }
0x2c: {  	[sflag:s6] =	ssyncset.done $0x0;
	s14 =	simm.s32 @!p0 $0x0  }
0x2d: {  	[sflag:s6] =	ssyncadd.s32 $0xFFFFE0C0;
	(ifvalue) =	ssetifvalue $0x7FFFFFFF;
	v0 =	vld.msk [tilespmem:s14+$0x0 ss:$0x1], $0xffff;
	_ =	sdelay $0x4  }
0x2e: {  	s15 =	sadd.s32 $0x10, s14;
	vm1 =	vgt.s32 v0, $0x0  }
0x2f: {  	v2 =	vld.msk [tilespmem:s15+$0x0 ss:$0x1], $0xffff;
	v1 =	vnsel vm1, $0x0, v0  }
0x30: {  	v1 =	vmin.u32 v1, $0x4E1FF;
	_ =	sdelay $0x2  }
0x31: {  	s17 =	simm.s32 $0x20;
	s14 =	sadd.s32 $0x3E80, s14;
	s16 =	sadd.s32 $0x10, s15  }
0x32: {  	s15 =	sadd.s32 $0x10, s14;
	s18 =	smov.u32 s14;
	v0 =	vld.msk [tilespmem:s16+$0x0 ss:$0x1], $0xffff;
	vm1 =	vgt.s32 v2, $0x0;
	(ifvalue) =	ssetifvalue $0x7FFFFFFF  }
.LBB2_3:
0x33: {  	[tilespmem:s18], [sflag:$0x1] =	stream.indirect_vreg.gather [hbm4b:s2+s10], $0x1, v1, vm0, $0x4038;
	[tilespmem:$0x7D00] =	vst v63  }
0x34: {  	s17 =	sadd.s32 $0x10, s17  }
0x35: {  	v2 =	vnsel vm1, $0x0, v2;
	p0 =	slt.u32 s17, $0x1F30  }
.Ltmp3:
0x36: {  	s18 =	smov.u32 s15;
	v1 =	vmin.u32 v2, $0x4E1FF;
	(pc) =	sbr.rel @p0 .LBB2_3-.Ltmp3, $3  }
0x37: {  	_ =	sdelay $0x1  }
0x38: {  	s16 =	sadd.s32 $0x10, s16  }
0x39: {  	vm1 =	vgt.s32 v0, $0x0;
	s15 =	sadd.s32 $0x10, s15;
	v2 =	vmov v0;
	(ifvalue) =	ssetifvalue $0x7FFFFFFF;
	v0 =	vld.msk [tilespmem:s16+$0x0 ss:$0x1], $0xffff  }
.Ltmp4:
0x3a: {  	_ = 	snop;
	(pc) =	sbr.rel .LBB2_4-.Ltmp4, $1  }
0x3b: {  	_ =	sdelay $0x3  }
.LBB2_6:
0x3c: {  	_ =	sfence.sel $0x180000  }
0x3d: {  	s2 =	simm.s32 $0x2;
	[bflag:$0x0] =	sbarrier.arrive $0xFFFF  }
0x3e: {  	s30 =	simm.s32 $0x3;
	[sflag:s2] =	ssyncpa.u1 $0x1  }
0x3f: {  	s31 =	simm.s32 $0x1;
	[sflag:s30] =	ssyncpa.u1 $0x1  }
0x40: {  	[sflag:s31] =	ssyncpa.u1 $0x1  }
0x41: {  	p0 =	sne.s32 s1, $0x0;
	_ =	strace $0x9000004A  }
0x42: {  	s0 =	sadd.s32 @!p0 $0x100000, s0;
	[bflag:$0x2] =	sbarrier.arrive $0xFFFF  }
0x43: {  	[sflag:s0] =	ssyncadd.tile.s32 @!p0 $0x1;
	_ =	shalt  }
.Lfunc_end2:
_tile_overlayer_lowered:
.L_overlay_start_2:
0x44: {  	(tag) =	ssettag $0x2  }
0x45: {  	s0 =	rddreg [dreg:$0x0];
	s2 =	stileid.u32  }
0x46: {  	s1 =	rddreg [dreg:$0x1];
	p0 =	sne.s32 s2, $0x0  }
0x47: {  	s3 =	rddreg [dreg:$0x2];
	[bflag:$0x3] =	sbarrier.arrive $0xFFFF;
	s2 =	simm.s32 @!p0 $0x1C01  }
0x48: {  	[timem:s3], [sflag:s2] =	dma.local @!p0 [hbm:s0], s1  }
0x49: {  	s0 =	simm.s32 @!p0 $0x1  }
0x4a: {  	_ =	swait.ge @!p0 [sflag:s0], s1  }
0x4b: {  	s1 =	ssub.s32 @!p0 $0x0, s1;
	[sflag:s0] =	ssyncset.done @!p0 $0x0  }
0x4c: {  	[sflag:s0] =	ssyncadd.s32 @!p0 s1  }
0x4d: {  	[bflag:$0x3] =	sbarrier.arrive $0xFFFF  }
0x4e: {  	_ =	shalt  }

// kernel: kernel.14.cloned.1.call-start
scs
__scs_entry_jumppad:
0x0: {  	(pc) =	sbr.rel $0x88, $3  }
0x1: {  	(tag) =	ssettag $0x0;
	lr =	simm.s32 $0x1  }
0x2: {  	[smem:$0x3F8D] =	sst lr;
	_ =	strace $0xD0000000  }
0x3: {  	_ = 	snop  }
0x4: {  	_ = 	snop  }
0x5: {  	_ = 	snop  }
0x6: {  	_ = 	snop  }
0x7: {  	_ = 	snop  }
__scs_overlays_trampoline_lowered:
0x8: {  	[smem:$0x3F9C] =	sst s0  }
0x9: {  	[smem:$0x3F9D] =	sst s1  }
0xa: {  	[smem:$0x3F9E] =	sst s2  }
0xb: {  	[smem:$0x3F9F] =	sst s3  }
0xc: {  	[smem:$0x3FA0] =	sst s4  }
0xd: {  	[smem:$0x3FA1] =	sst s5  }
0xe: {  	[smem:$0x3FA2] =	sst s6  }
0xf: {  	[smem:$0x3FA3] =	sst s7  }
0x10: {  	[smem:$0x3FA4] =	sst s8  }
0x11: {  	[smem:$0x3FA5] =	sst s9;
	s0 =	simm.s32 @!p0 $0x0  }
0x12: {  	s1 =	sld [smem:$0x3F8B];
	s0 =	simm.s32 @p0 $0x1  }
0x13: {  	[smem:$0x3FA6] =	sst s0;
	s0 =	simm.s32 @!p1 $0x0  }
0x14: {  	s2 =	sld [smem:$0x3F8A];
	s0 =	simm.s32 @p1 $0x1  }
0x15: {  	[smem:$0x3FA7] =	sst s0;
	s0 =	simm.s32 @!p2 $0x0  }
0x16: {  	s3 =	sld [smem:$0x3FDB];
	s0 =	simm.s32 @p2 $0x1  }
0x17: {  	s4 =	simm.s32 $0x1BF5;
	[smem:$0x3FA9] =	sst s0  }
0x18: {  	s0 =	sld [smem:$0x3F8C];
	_ =	swait.ge [sflag:s4], $0x0  }
0x19: {  	s7 =	sld [smem:$0x3F8D]  }
0x1a: {  	s8 =	sadd.s32 $0xFFFFE003, lr  }
0x1b: {  	s9 =	sadd.s32 $0xFFFFFEF7, lr;
	s5 =	simm.s32 $0xFFFFFFFF;
	p2 =	slt.u32 s8, $0xFFFFF086  }
0x1c: {  	p1 =	slt.u32 s9, $0xF7A;
	s5 =	simm.s32 @!p2 $0x0  }
0x1d: {  	s5 =	simm.s32 @p1 $0x1;
	p0 =	seq.s32 s7, s2  }
0x1e: {  	s7 =	smul.u32 @!p0 $0xF7A, s2;
	p2 =	seq.s32 @!p0 s5, $0x0  }
0x1f: {  	s9 =	smul.u32 $0xF7A, s1;
	s8 =	simm.s32 @!p0 $0x1BF5;
	p2 =	por !p2, p0  }
0x20: {  	[sflag:s8] =	ssyncset.s32 @!p0 $0xFFFFF086;
	s6 =	sadd.s32 @!p0 s3, s7;
	s7 =	simm.s32 @!p0 $0x108  }
0x21: {  	s3 =	sadd.s32 s3, s9;
	s6 =	sadd.s32 @!p0 $0x88, s6;
	s7 =	simm.s32 @p2 $0x1082  }
0x22: {  	[simem:s7], [sflag:s8] =	dma.local @!p0 [hbm:s6], $0xF7A  }
0x23: {  	s9 =	sor.u32 $0xD0000000, s2;
	s6 =	simm.s32 $0x108;
	_ =	swait.ge @!p0 [sflag:s8], $0x0  }
0x24: {  	s3 =	sadd.s32 $0x88, s3;
	s6 =	simm.s32 @!p1 $0x1082;
	[sflag:s4] =	ssyncset.s32 $0xFFFFF086  }
0x25: {  	[simem:s6], [sflag:s4] =	dma.local [hbm:s3], $0xF7A  }
0x26: {  	[smem:$0x3F8D] =	sst s1;
	(tag) =	ssettag s2;
	_ =	strace s9  }
0x27: {  	s1 =	sld [smem:$0x3F9D]  }
0x28: {  	s2 =	sld [smem:$0x3F9E]  }
0x29: {  	s4 =	sld [smem:$0x3FA0]  }
0x2a: {  	p0 =	seq.s32 s5, $0x0;
	s5 =	sld [smem:$0x3FA1]  }
0x2b: {  	s6 =	sld [smem:$0x3FA2]  }
0x2c: {  	s7 =	sld [smem:$0x3FA3]  }
0x2d: {  	s3 =	simm.s32 $0x108;
	s8 =	sld [smem:$0x3FA4]  }
0x2e: {  	s3 =	simm.s32 @!p0 $0x1082;
	s9 =	sld [smem:$0x3FA5]  }
0x2f: {  	lr =	sadd.s32 s0, s3;
	s0 =	sld [smem:$0x3F9C]  }
0x30: {  	s3 =	sld [smem:$0x3F9F]  }
0x31: {  	[smem:$0x3FA8] =	sst s10  }
0x32: {  	s10 =	sld [smem:$0x3FA6];
	_ =	sdelay $0x3  }
0x33: {  	p0 =	seq.s32 s10, $0x1;
	s10 =	sld [smem:$0x3FA8];
	_ =	sdelay $0x3  }
0x34: {  	[smem:$0x3FA8] =	sst s10  }
0x35: {  	s10 =	sld [smem:$0x3FA7];
	_ =	sdelay $0x3  }
0x36: {  	p1 =	seq.s32 s10, $0x1;
	s10 =	sld [smem:$0x3FA8];
	_ =	sdelay $0x3  }
0x37: {  	[smem:$0x3FA8] =	sst s10  }
0x38: {  	s10 =	sld [smem:$0x3FA9]  }
0x39: {  	_ = 	snop;
	(pc) =	sbr.ind lr, $3  }
0x3a: {  	_ = 	snop  }
0x3b: {  	_ = 	snop  }
0x3c: {  	p2 =	seq.s32 s10, $0x1;
	s10 =	sld [smem:$0x3FA8]  }
0x3d: {  	_ =	shalt  }
0x3e: {  	_ =	shalt  }
0x3f: {  	_ =	shalt  }
0x40: {  	_ =	shalt  }
0x41: {  	_ =	shalt  }
0x42: {  	_ =	shalt  }
0x43: {  	_ =	shalt  }
0x44: {  	_ =	shalt  }
0x45: {  	_ =	shalt  }
0x46: {  	_ =	shalt  }
0x47: {  	_ =	shalt  }
0x48: {  	_ =	shalt  }
0x49: {  	_ =	shalt  }
0x4a: {  	_ =	shalt  }
0x4b: {  	_ =	shalt  }
0x4c: {  	_ =	shalt  }
0x4d: {  	_ =	shalt  }
0x4e: {  	_ =	shalt  }
0x4f: {  	_ =	shalt  }
0x50: {  	_ =	shalt  }
0x51: {  	_ =	shalt  }
0x52: {  	_ =	shalt  }
0x53: {  	_ =	shalt  }
0x54: {  	_ =	shalt  }
0x55: {  	_ =	shalt  }
0x56: {  	_ =	shalt  }
0x57: {  	_ =	shalt  }
0x58: {  	_ =	shalt  }
0x59: {  	_ =	shalt  }
0x5a: {  	_ =	shalt  }
0x5b: {  	_ =	shalt  }
0x5c: {  	_ =	shalt  }
0x5d: {  	_ =	shalt  }
0x5e: {  	_ =	shalt  }
0x5f: {  	_ =	shalt  }
0x60: {  	_ =	shalt  }
0x61: {  	_ =	shalt  }
0x62: {  	_ =	shalt  }
0x63: {  	_ =	shalt  }
0x64: {  	_ =	shalt  }
0x65: {  	_ =	shalt  }
0x66: {  	_ =	shalt  }
0x67: {  	_ =	shalt  }
0x68: {  	_ =	shalt  }
0x69: {  	_ =	shalt  }
0x6a: {  	_ =	shalt  }
0x6b: {  	_ =	shalt  }
0x6c: {  	_ =	shalt  }
0x6d: {  	_ =	shalt  }
0x6e: {  	_ =	shalt  }
0x6f: {  	_ =	shalt  }
0x70: {  	_ =	shalt  }
0x71: {  	_ =	shalt  }
0x72: {  	_ =	shalt  }
0x73: {  	_ =	shalt  }
0x74: {  	_ =	shalt  }
0x75: {  	_ =	shalt  }
0x76: {  	_ =	shalt  }
0x77: {  	_ =	shalt  }
0x78: {  	_ =	shalt  }
0x79: {  	_ =	shalt  }
0x7a: {  	_ =	shalt  }
0x7b: {  	_ =	shalt  }
0x7c: {  	_ =	shalt  }
0x7d: {  	_ =	shalt  }
0x7e: {  	_ =	shalt  }
0x7f: {  	_ =	shalt  }
0x80: {  	_ =	shalt  }
0x81: {  	_ =	shalt  }
0x82: {  	_ =	shalt  }
0x83: {  	_ =	shalt  }
0x84: {  	_ =	shalt  }
0x85: {  	_ =	shalt  }
0x86: {  	_ =	shalt  }
0x87: {  	_ =	shalt  }
.Lfunc_end0:
.L_simem_size_0:
called_computation.2_lowered:
.L_overlay_start_0:
0x88: {  	s2 =	sld [smem:$0x3FD9]  }
0x89: {  	s3 =	sld [smem:$0x3FFE];
	_ =	sdelay $0x1  }
0x8a: {  	s1 =	srdreg.scid  }
0x8b: {  	s0 =	sand.u32 $0x1, s1  }
0x8c: {  	s16 =	sshll.u32 s0, $0xA;
	s2 =	sadd.s32 s3, s2  }
0x8d: {  	s2 =	sadd.s32 s2, s16  }
0x8e: {  	[smem:$0x3FB4] =	sst s2  }
0x8f: {  	_ = 	snop  }
0x90: {  	(tm) =	ssettm $0x1  }
0x91: {  	s17 =	sld [smem:$0x3FFB];
	_ =	sdelay $0x3  }
0x92: {  	_ =	strace s17  }
0x93: {  	s2 =	sld [smem:$0x3FFC];
	_ =	sdelay $0x3  }
0x94: {  	_ =	strace s2  }
0x95: {  	s2 =	sld [smem:$0x3FFD];
	_ =	sdelay $0x3  }
0x96: {  	_ =	strace s2  }
0x97: {  	_ =	strace $0x8FFFFFFF  }
0x98: {  	s18 =	sld [smem:$0x3FDB];
	_ =	sdelay $0x1  }
0x99: {  	s19 =	simm.s32 $_scs_section_size  }
0x9a: {  	s4 =	simm.s32 $_size__tile_overlayer_lowered;
	s5 =	simm.s32 $_tile_overlayer_lowered  }
0x9b: {  	s22 =	simm.s32 $0x1BFF;
	s21 =	sshll.u32 s5, $0x1;
	s2 =	sadd.s32 s19, s18  }
0x9c: {  	s6 =	simm.s32 $0x0;
	s20 =	sshll.u32 s4, $0x1;
	s4 =	sadd.s32 s21, s2  }
0x9d: {  	[timem:s6], [sflag:s22] =	dma.local [hbm:s4], s20  }
0x9e: {  	_ =	swait.ge [sflag:s22], s20  }
0x9f: {  	s3 =	ssub.s32 $0x0, s20;
	[sflag:s22] =	ssyncset.done $0x0  }
0xa0: {  	[sflag:s22] =	ssyncadd.s32 s3;
	_ =	sdelay $0x1  }
0xa1: {  	s23 =	simm.s32 $0x1B8B  }
0xa2: {  	_ =	swait.ge [sflag:s23], $0x1  }
0xa3: {  	[sflag:s23] =	ssyncset.done $0x0  }
0xa4: {  	s25 =	simm.s32 $0x1B8E;
	s24 =	sld [smem:$0x3FFE];
	[sflag:s23] =	ssyncadd.s32 $0xFFFFFFFF  }
0xa5: {  	s26 =	simm.s32 $execute0_lowered;
	[smem:$0x3FD2] =	sst s25  }
0xa6: {  	s4 =	sshll.u32 s26, $0x1;
	_ =	strace $0x8000004C;
	[dreg:$0x1] =	wrdreg $0xFFFFFFFF  }
0xa7: {  	s28 =	simm.s32 $_size_execute0_lowered;
	s2 =	sadd.s32 s2, s4;
	[dreg:$0x0] =	wrdreg $0x0  }
0xa8: {  	s4 =	sshll.u32 s28, $0x1;
	[dreg:$0x2] =	wrdreg s2  }
0xa9: {  	[dreg:$0x3] =	wrdreg s4  }
0xaa: {  	[dreg:$0x4] =	wrdreg $0xC0  }
0xab: {  	_ =	task [dreg:s6], $0x5FFFF  }
0xac: {  	[dreg:$0x1] =	wrdreg $0xFFFFFFFF  }
0xad: {  	[dreg:$0x0] =	wrdreg $0x60  }
0xae: {  	[dreg:$0x2] =	wrdreg s24  }
0xaf: {  	[dreg:$0x3] =	wrdreg $0x90000  }
0xb0: {  	[dreg:$0x4] =	wrdreg $0x9  }
0xb1: {  	_ =	task.clear_ibuf [dreg:s6], $0x5FFFF;
	_ =	strace $0x9000004C  }
0xb2: {  	s29 =	simm.s32 $0x9;
	_ =	strace $0x8000004E  }
0xb3: {  	_ =	swait.ge [sflag:s29], $0x1  }
0xb4: {  	[sflag:s29] =	ssyncadd.s32 $0xFFFFFFFF  }
0xb5: {  	_ =	strace $0x9000004E  }
0xb6: {  	_ =	sfence  }
0xb7: {  	s30 =	sld [smem:$0x0];
	_ =	sdelay $0x2  }
0xb8: {  	s31 =	sshll.u32 s1, $0xD;
	s1 =	sshrl.u32 s1, $0x2  }
0xb9: {  	s3 =	sand.u32 $0x4000, s31;
	s1 =	sadd.s32 s1, s30  }
0xba: {  	s0 =	sor.u32 s3, s0;
	s1 =	sshll.u32 s1, $0x11  }
0xbb: {  	s0 =	sor.u32 s1, s0  }
0xbc: {  	s0 =	sadd.s32 $0x8F2B, s0  }
0xbd: {  	[sflag:s0] =	ssyncadd.remote.s32 $0x1  }
0xbe: {  	_ =	sfence.sel $0xFFFF  }
0xbf: {  	[dreg:$0x0] =	wrdreg $0xFFFFFFFF;
	(pc) =	sbr.abs _section_cstart, $3  }
0xc0: {  	[dreg:$0x1] =	wrdreg $0xFFFFFFFF  }
0xc1: {  	_ =	task.clear_ibuf [dreg:s6], $0x2FFFF;
	_ =	strace $0x9FFFFFFF  }
0xc2: {  	(tm) =	ssettm $0x7FFFFFFF  }
0xc3: {  	_ =	shalt  }
tec
execute0_lowered:
.L_overlay_start_1:
0x0: {  	(tag) =	ssettag $0x1  }
0x1: {  	s1 =	srdreg.scid;
	s6 =	rddreg [dreg:$0x0]  }
0x2: {  	s0 =	stileid.u32;
	s2 =	rddreg [dreg:$0x1];
	s3 =	simm.s32 $0x0  }
0x3: {  	s13 =	simm.s32 $0x2800;
	s14 =	simm.s32 $0x80;
	s15 =	simm.s32 $0x5000  }
0x4: {  	s16 =	simm.s32 $0x1;
	s17 =	simm.s32 $0x0;
	s7 =	sand.u32 $0x1, s1  }
0x5: {  	s26 =	sshll.u32 s0, $0x1;
	s1 =	rddreg [dreg:$0x2];
	s8 =	smul.u32 $0x2780, s0  }
0x6: {  	[smem:$0x7FF] =	sst s3;
	s11 =	smul.u32 $0x4F000, s0;
	s31 =	sshll.u32 s0, $0x6  }
0x7: {  	s4 =	sor.u32 s7, s26;
	_ =	strace $0x8000004D;
	s9 =	smul.u32 $0x27800, s7  }
0x8: {  	s7 =	ssub.s32 $0x2, s7;
	s5 =	smul.u32 $0x500, s4;
	s4 =	sadd.s32 $0x6800, s6  }
0x9: {  	s28 =	sshrl.u32 s7, $0x1;
	s29 =	sshrl.u32 s11, $0x2;
	s8 =	sadd.s32 s8, s9  }
0xa: {  	s30 =	ssub.s32 s7, s28;
	s12 =	sadd.s32 s29, s2;
	s10 =	sadd.s32 s5, s6  }
0xb: {  	s5 =	sadd.s32 $0x37A00, s6;
	s9 =	sadd.s32 s8, s6;
	s6 =	sor.u32 $0x1C02, s31  }
0xc: {  	s11 =	sshrl.u32 s12, $0x3;
	s12 =	simm.s32 $0x2;
	s7 =	sadd.s32 $0x2DA00, s10  }
0xd: {  	s8 =	sadd.s32 $0x7C600, s10;
	s9 =	sadd.s32 $0x86600, s9;
	s10 =	smax.u32 s30, $0x1  }
.LBB2_1:
0xe: {  	[spmem:s11], [sflag:s6] =	dma.local [hbm:s5], $0x2780  }
0xf: {  	_ =	swait.ge [sflag:s12], $0x2780  }
0x10: {  	[sflag:s12] =	ssyncset.done $0x0  }
0x11: {  	[sflag:s12] =	ssyncadd.s32 $0xFFFFD880  }
0x12: {  	[tilespmem:s3], [sflag:$0x2] =	stream.linear.gather [hbm4b:s7+s3], $0x2780, $0x38;
	[tilespmem:$0x1CC00] =	vst v63  }
0x13: {  	_ =	swait.ge [sflag:s12], $0x2780  }
0x14: {  	[sflag:s12] =	ssyncset.done $0x0  }
0x15: {  	[sflag:s12] =	ssyncadd.s32 $0xFFFFD880  }
0x16: {  	[tilespmem:s13], [sflag:$0x2] =	stream.linear.gather [hbm4b:s8+s3], $0x2780, $0x38;
	[tilespmem:$0x1CC00] =	vst v63  }
0x17: {  	_ =	swait.ge [sflag:s12], $0x2780  }
0x18: {  	[sflag:s12] =	ssyncset.done $0x0  }
0x19: {  	[sflag:s12] =	ssyncadd.s32 $0xFFFFD880  }
0x1a: {  	s18 =	simm.s32 $0x0;
	[bflag:$0x0] =	sbarrier.arrive $0xFFFF  }
0x1b: {  	[tilespmem:s15], [sflag:$0x1] =	stream.indirect.gather [hbm4b:s4+s14], $0x80, s18, s14, $0xb8;
	[tilespmem:$0x1CC00] =	vst v63  }
0x1c: {  	_ =	swait.ge [sflag:s16], $0x4000  }
0x1d: {  	[sflag:s16] =	ssyncset.done $0x0  }
0x1e: {  	s31 =	simm.s32 $0x2800;
	[sflag:s16] =	ssyncadd.s32 $0xFFFFC000  }
0x1f: {  	[spmem:s2] =	stream.indirect.scatter.add.f32 [tilespmem:s15], [sflag:$0x2], $0x80, s31, s14, $0xb8;
	[tilespmem:$0x1CC00] =	vst v63  }
0x20: {  	_ =	swait.ge [sflag:s12], $0x4000  }
0x21: {  	s19 =	simm.s32 $0x400;
	s18 =	simm.s32 $0x200;
	[sflag:s12] =	ssyncset.done $0x0  }
.LBB2_2:
0x22: {  	s20 =	sshra.s32 s18, $0x2  }
0x23: {  	[sflag:s12] =	ssyncadd.s32 $0xFFFFC000;
	s18 =	smov.u32 s19;
	s21 =	sadd.s32 $0x200, s19  }
0x24: {  	[tilespmem:s15], [sflag:$0x1] =	stream.indirect.gather [hbm4b:s4+s14], $0x80, s20, s14, $0xb8;
	[tilespmem:$0x1CC00] =	vst v63  }
0x25: {  	p0 =	sne.s32 s19, $0x9C00;
	_ =	swait.ge [sflag:s16], $0x4000  }
.Ltmp0:
0x26: {  	[sflag:s16] =	ssyncset.done $0x0;
	(pc) =	sbr.rel @p0 .LBB2_2-.Ltmp0, $4  }
0x27: {  	s19 =	sadd.s32 $0x2800, s20;
	[sflag:s16] =	ssyncadd.s32 $0xFFFFC000  }
0x28: {  	[spmem:s2] =	stream.indirect.scatter.add.f32 [tilespmem:s15], [sflag:$0x2], $0x80, s19, s14, $0xb8;
	[tilespmem:$0x1CC00] =	vst v63  }
0x29: {  	_ =	swait.ge [sflag:s12], $0x4000  }
0x2a: {  	s19 =	smov.u32 s21;
	[sflag:s12] =	ssyncset.done $0x0  }
0x2b: {  	s18 =	sshra.s32 s18, $0x2;
	[sflag:s12] =	ssyncadd.s32 $0xFFFFC000  }
0x2c: {  	[tilespmem:s15], [sflag:$0x1] =	stream.indirect.gather [hbm4b:s4+s14], $0x80, s18, s14, $0xb8;
	[tilespmem:$0x1CC00] =	vst v63  }
0x2d: {  	_ =	swait.ge [sflag:s16], $0x4000  }
0x2e: {  	[sflag:s16] =	ssyncset.done $0x0  }
0x2f: {  	s18 =	sadd.s32 $0x2800, s18;
	[sflag:s16] =	ssyncadd.s32 $0xFFFFC000  }
0x30: {  	[spmem:s2] =	stream.indirect.scatter.add.f32 [tilespmem:s15], [sflag:$0x2], $0x80, s18, s14, $0xb8;
	[tilespmem:$0x1CC00] =	vst v63  }
0x31: {  	_ =	swait.ge [sflag:s12], $0x4000  }
0x32: {  	s17 =	sadd.s32 $0x1, s17;
	[sflag:s12] =	ssyncset.done $0x0  }
0x33: {  	p0 =	sne.s32 s17, s10;
	[sflag:s12] =	ssyncadd.s32 $0xFFFFC000  }
.Ltmp1:
0x34: {  	[bflag:$0x0] =	sbarrier.arrive $0xFFFF;
	(pc) =	sbr.rel @p0 .LBB2_1-.Ltmp1, $4  }
0x35: {  	[hbm:s9], [sflag:s6] =	dma.local [spmem:s11], $0x2780  }
0x36: {  	_ =	swait.ge [sflag:s12], $0x2780  }
0x37: {  	[sflag:s12] =	ssyncset.done $0x0  }
0x38: {  	[sflag:s12] =	ssyncadd.s32 $0xFFFFD880  }
0x39: {  	_ =	sfence.sel $0x180000  }
0x3a: {  	[bflag:$0x0] =	sbarrier.arrive $0xFFFF  }
0x3b: {  	p0 =	sne.s32 s0, $0x0;
	_ =	strace $0x9000004D  }
0x3c: {  	s0 =	sadd.s32 @!p0 $0x100000, s1;
	[bflag:$0x2] =	sbarrier.arrive $0xFFFF  }
0x3d: {  	[sflag:s0] =	ssyncadd.tile.s32 @!p0 $0x1;
	_ =	shalt  }
.Lfunc_end2:
_tile_overlayer_lowered:
.L_overlay_start_2:
0x3e: {  	(tag) =	ssettag $0x2  }
0x3f: {  	s0 =	rddreg [dreg:$0x0];
	s2 =	stileid.u32  }
0x40: {  	s1 =	rddreg [dreg:$0x1];
	p0 =	sne.s32 s2, $0x0  }
0x41: {  	s3 =	rddreg [dreg:$0x2];
	[bflag:$0x3] =	sbarrier.arrive $0xFFFF;
	s2 =	simm.s32 @!p0 $0x1C02  }
0x42: {  	[timem:s3], [sflag:s2] =	dma.local @!p0 [hbm:s0], s1  }
0x43: {  	s0 =	simm.s32 @!p0 $0x2  }
0x44: {  	_ =	swait.ge @!p0 [sflag:s0], s1  }
0x45: {  	s1 =	ssub.s32 @!p0 $0x0, s1;
	[sflag:s0] =	ssyncset.done @!p0 $0x0  }
0x46: {  	[sflag:s0] =	ssyncadd.s32 @!p0 s1  }
0x47: {  	[bflag:$0x3] =	sbarrier.arrive $0xFFFF  }
0x48: {  	_ =	shalt  }

// kernel: kernel.17.cloned.1.call-start
scs
__scs_entry_jumppad:
0x0: {  	(pc) =	sbr.rel $0x88, $3  }
0x1: {  	(tag) =	ssettag $0x0;
	lr =	simm.s32 $0x1  }
0x2: {  	[smem:$0x3F8D] =	sst lr;
	_ =	strace $0xD0000000  }
0x3: {  	_ = 	snop  }
0x4: {  	_ = 	snop  }
0x5: {  	_ = 	snop  }
0x6: {  	_ = 	snop  }
0x7: {  	_ = 	snop  }
__scs_overlays_trampoline_lowered:
0x8: {  	[smem:$0x3F9C] =	sst s0  }
0x9: {  	[smem:$0x3F9D] =	sst s1  }
0xa: {  	[smem:$0x3F9E] =	sst s2  }
0xb: {  	[smem:$0x3F9F] =	sst s3  }
0xc: {  	[smem:$0x3FA0] =	sst s4  }
0xd: {  	[smem:$0x3FA1] =	sst s5  }
0xe: {  	[smem:$0x3FA2] =	sst s6  }
0xf: {  	[smem:$0x3FA3] =	sst s7  }
0x10: {  	[smem:$0x3FA4] =	sst s8  }
0x11: {  	[smem:$0x3FA5] =	sst s9;
	s0 =	simm.s32 @!p0 $0x0  }
0x12: {  	s1 =	sld [smem:$0x3F8B];
	s0 =	simm.s32 @p0 $0x1  }
0x13: {  	[smem:$0x3FA6] =	sst s0;
	s0 =	simm.s32 @!p1 $0x0  }
0x14: {  	s2 =	sld [smem:$0x3F8A];
	s0 =	simm.s32 @p1 $0x1  }
0x15: {  	[smem:$0x3FA7] =	sst s0;
	s0 =	simm.s32 @!p2 $0x0  }
0x16: {  	s3 =	sld [smem:$0x3FDB];
	s0 =	simm.s32 @p2 $0x1  }
0x17: {  	s4 =	simm.s32 $0x1BF5;
	[smem:$0x3FA9] =	sst s0  }
0x18: {  	s0 =	sld [smem:$0x3F8C];
	_ =	swait.ge [sflag:s4], $0x0  }
0x19: {  	s7 =	sld [smem:$0x3F8D]  }
0x1a: {  	s8 =	sadd.s32 $0xFFFFE003, lr  }
0x1b: {  	s9 =	sadd.s32 $0xFFFFFEF7, lr;
	s5 =	simm.s32 $0xFFFFFFFF;
	p2 =	slt.u32 s8, $0xFFFFF086  }
0x1c: {  	p1 =	slt.u32 s9, $0xF7A;
	s5 =	simm.s32 @!p2 $0x0  }
0x1d: {  	s5 =	simm.s32 @p1 $0x1;
	p0 =	seq.s32 s7, s2  }
0x1e: {  	s7 =	smul.u32 @!p0 $0xF7A, s2;
	p2 =	seq.s32 @!p0 s5, $0x0  }
0x1f: {  	s9 =	smul.u32 $0xF7A, s1;
	s8 =	simm.s32 @!p0 $0x1BF5;
	p2 =	por !p2, p0  }
0x20: {  	[sflag:s8] =	ssyncset.s32 @!p0 $0xFFFFF086;
	s6 =	sadd.s32 @!p0 s3, s7;
	s7 =	simm.s32 @!p0 $0x108  }
0x21: {  	s3 =	sadd.s32 s3, s9;
	s6 =	sadd.s32 @!p0 $0x88, s6;
	s7 =	simm.s32 @p2 $0x1082  }
0x22: {  	[simem:s7], [sflag:s8] =	dma.local @!p0 [hbm:s6], $0xF7A  }
0x23: {  	s9 =	sor.u32 $0xD0000000, s2;
	s6 =	simm.s32 $0x108;
	_ =	swait.ge @!p0 [sflag:s8], $0x0  }
0x24: {  	s3 =	sadd.s32 $0x88, s3;
	s6 =	simm.s32 @!p1 $0x1082;
	[sflag:s4] =	ssyncset.s32 $0xFFFFF086  }
0x25: {  	[simem:s6], [sflag:s4] =	dma.local [hbm:s3], $0xF7A  }
0x26: {  	[smem:$0x3F8D] =	sst s1;
	(tag) =	ssettag s2;
	_ =	strace s9  }
0x27: {  	s1 =	sld [smem:$0x3F9D]  }
0x28: {  	s2 =	sld [smem:$0x3F9E]  }
0x29: {  	s4 =	sld [smem:$0x3FA0]  }
0x2a: {  	p0 =	seq.s32 s5, $0x0;
	s5 =	sld [smem:$0x3FA1]  }
0x2b: {  	s6 =	sld [smem:$0x3FA2]  }
0x2c: {  	s7 =	sld [smem:$0x3FA3]  }
0x2d: {  	s3 =	simm.s32 $0x108;
	s8 =	sld [smem:$0x3FA4]  }
0x2e: {  	s3 =	simm.s32 @!p0 $0x1082;
	s9 =	sld [smem:$0x3FA5]  }
0x2f: {  	lr =	sadd.s32 s0, s3;
	s0 =	sld [smem:$0x3F9C]  }
0x30: {  	s3 =	sld [smem:$0x3F9F]  }
0x31: {  	[smem:$0x3FA8] =	sst s10  }
0x32: {  	s10 =	sld [smem:$0x3FA6];
	_ =	sdelay $0x3  }
0x33: {  	p0 =	seq.s32 s10, $0x1;
	s10 =	sld [smem:$0x3FA8];
	_ =	sdelay $0x3  }
0x34: {  	[smem:$0x3FA8] =	sst s10  }
0x35: {  	s10 =	sld [smem:$0x3FA7];
	_ =	sdelay $0x3  }
0x36: {  	p1 =	seq.s32 s10, $0x1;
	s10 =	sld [smem:$0x3FA8];
	_ =	sdelay $0x3  }
0x37: {  	[smem:$0x3FA8] =	sst s10  }
0x38: {  	s10 =	sld [smem:$0x3FA9]  }
0x39: {  	_ = 	snop;
	(pc) =	sbr.ind lr, $3  }
0x3a: {  	_ = 	snop  }
0x3b: {  	_ = 	snop  }
0x3c: {  	p2 =	seq.s32 s10, $0x1;
	s10 =	sld [smem:$0x3FA8]  }
0x3d: {  	_ =	shalt  }
0x3e: {  	_ =	shalt  }
0x3f: {  	_ =	shalt  }
0x40: {  	_ =	shalt  }
0x41: {  	_ =	shalt  }
0x42: {  	_ =	shalt  }
0x43: {  	_ =	shalt  }
0x44: {  	_ =	shalt  }
0x45: {  	_ =	shalt  }
0x46: {  	_ =	shalt  }
0x47: {  	_ =	shalt  }
0x48: {  	_ =	shalt  }
0x49: {  	_ =	shalt  }
0x4a: {  	_ =	shalt  }
0x4b: {  	_ =	shalt  }
0x4c: {  	_ =	shalt  }
0x4d: {  	_ =	shalt  }
0x4e: {  	_ =	shalt  }
0x4f: {  	_ =	shalt  }
0x50: {  	_ =	shalt  }
0x51: {  	_ =	shalt  }
0x52: {  	_ =	shalt  }
0x53: {  	_ =	shalt  }
0x54: {  	_ =	shalt  }
0x55: {  	_ =	shalt  }
0x56: {  	_ =	shalt  }
0x57: {  	_ =	shalt  }
0x58: {  	_ =	shalt  }
0x59: {  	_ =	shalt  }
0x5a: {  	_ =	shalt  }
0x5b: {  	_ =	shalt  }
0x5c: {  	_ =	shalt  }
0x5d: {  	_ =	shalt  }
0x5e: {  	_ =	shalt  }
0x5f: {  	_ =	shalt  }
0x60: {  	_ =	shalt  }
0x61: {  	_ =	shalt  }
0x62: {  	_ =	shalt  }
0x63: {  	_ =	shalt  }
0x64: {  	_ =	shalt  }
0x65: {  	_ =	shalt  }
0x66: {  	_ =	shalt  }
0x67: {  	_ =	shalt  }
0x68: {  	_ =	shalt  }
0x69: {  	_ =	shalt  }
0x6a: {  	_ =	shalt  }
0x6b: {  	_ =	shalt  }
0x6c: {  	_ =	shalt  }
0x6d: {  	_ =	shalt  }
0x6e: {  	_ =	shalt  }
0x6f: {  	_ =	shalt  }
0x70: {  	_ =	shalt  }
0x71: {  	_ =	shalt  }
0x72: {  	_ =	shalt  }
0x73: {  	_ =	shalt  }
0x74: {  	_ =	shalt  }
0x75: {  	_ =	shalt  }
0x76: {  	_ =	shalt  }
0x77: {  	_ =	shalt  }
0x78: {  	_ =	shalt  }
0x79: {  	_ =	shalt  }
0x7a: {  	_ =	shalt  }
0x7b: {  	_ =	shalt  }
0x7c: {  	_ =	shalt  }
0x7d: {  	_ =	shalt  }
0x7e: {  	_ =	shalt  }
0x7f: {  	_ =	shalt  }
0x80: {  	_ =	shalt  }
0x81: {  	_ =	shalt  }
0x82: {  	_ =	shalt  }
0x83: {  	_ =	shalt  }
0x84: {  	_ =	shalt  }
0x85: {  	_ =	shalt  }
0x86: {  	_ =	shalt  }
0x87: {  	_ =	shalt  }
.Lfunc_end0:
.L_simem_size_0:
called_computation.3_lowered:
.L_overlay_start_0:
0x88: {  	s2 =	sld [smem:$0x3FD9]  }
0x89: {  	s3 =	sld [smem:$0x3FFE];
	_ =	sdelay $0x1  }
0x8a: {  	s1 =	srdreg.scid  }
0x8b: {  	s0 =	sand.u32 $0x1, s1  }
0x8c: {  	s16 =	sshll.u32 s0, $0xA;
	s2 =	sadd.s32 s3, s2  }
0x8d: {  	s2 =	sadd.s32 s2, s16  }
0x8e: {  	[smem:$0x3FB4] =	sst s2  }
0x8f: {  	_ = 	snop  }
0x90: {  	(tm) =	ssettm $0x1  }
0x91: {  	s17 =	sld [smem:$0x3FFB];
	_ =	sdelay $0x3  }
0x92: {  	_ =	strace s17  }
0x93: {  	s2 =	sld [smem:$0x3FFC];
	_ =	sdelay $0x3  }
0x94: {  	_ =	strace s2  }
0x95: {  	s2 =	sld [smem:$0x3FFD];
	_ =	sdelay $0x3  }
0x96: {  	_ =	strace s2  }
0x97: {  	_ =	strace $0x8FFFFFFF  }
0x98: {  	s18 =	sld [smem:$0x3FDB];
	_ =	sdelay $0x1  }
0x99: {  	s19 =	simm.s32 $_scs_section_size  }
0x9a: {  	s4 =	simm.s32 $_size__tile_overlayer_lowered;
	s5 =	simm.s32 $_tile_overlayer_lowered  }
0x9b: {  	s22 =	simm.s32 $0x1BFF;
	s21 =	sshll.u32 s5, $0x1;
	s2 =	sadd.s32 s19, s18  }
0x9c: {  	s6 =	simm.s32 $0x0;
	s20 =	sshll.u32 s4, $0x1;
	s4 =	sadd.s32 s21, s2  }
0x9d: {  	[timem:s6], [sflag:s22] =	dma.local [hbm:s4], s20  }
0x9e: {  	_ =	swait.ge [sflag:s22], s20  }
0x9f: {  	s3 =	ssub.s32 $0x0, s20;
	[sflag:s22] =	ssyncset.done $0x0  }
0xa0: {  	[sflag:s22] =	ssyncadd.s32 s3;
	_ =	sdelay $0x1  }
0xa1: {  	s23 =	simm.s32 $0x1B8B  }
0xa2: {  	_ =	swait.ge [sflag:s23], $0x1  }
0xa3: {  	[sflag:s23] =	ssyncset.done $0x0  }
0xa4: {  	s25 =	simm.s32 $0x1B8E;
	s24 =	sld [smem:$0x3FFE];
	[sflag:s23] =	ssyncadd.s32 $0xFFFFFFFF  }
0xa5: {  	s26 =	simm.s32 $execute0_lowered;
	[smem:$0x3FD2] =	sst s25  }
0xa6: {  	s4 =	sshll.u32 s26, $0x1;
	_ =	strace $0x8000004F;
	[dreg:$0x1] =	wrdreg $0xFFFFFFFF  }
0xa7: {  	s28 =	simm.s32 $_size_execute0_lowered;
	s2 =	sadd.s32 s2, s4;
	[dreg:$0x0] =	wrdreg $0x0  }
0xa8: {  	s4 =	sshll.u32 s28, $0x1;
	[dreg:$0x2] =	wrdreg s2  }
0xa9: {  	[dreg:$0x3] =	wrdreg s4  }
0xaa: {  	[dreg:$0x4] =	wrdreg $0xC0  }
0xab: {  	_ =	task [dreg:s6], $0x5FFFF  }
0xac: {  	[dreg:$0x1] =	wrdreg $0xFFFFFFFF  }
0xad: {  	[dreg:$0x0] =	wrdreg $0x60  }
0xae: {  	[dreg:$0x2] =	wrdreg s24  }
0xaf: {  	[dreg:$0x3] =	wrdreg $0x90000  }
0xb0: {  	[dreg:$0x4] =	wrdreg $0x9  }
0xb1: {  	_ =	task.clear_ibuf [dreg:s6], $0x5FFFF;
	_ =	strace $0x9000004F  }
0xb2: {  	s29 =	simm.s32 $0x9;
	_ =	strace $0x80000051  }
0xb3: {  	_ =	swait.ge [sflag:s29], $0x1  }
0xb4: {  	[sflag:s29] =	ssyncadd.s32 $0xFFFFFFFF  }
0xb5: {  	_ =	strace $0x90000051  }
0xb6: {  	_ =	sfence  }
0xb7: {  	s30 =	sld [smem:$0x0];
	_ =	sdelay $0x2  }
0xb8: {  	s31 =	sshll.u32 s1, $0xD;
	s1 =	sshrl.u32 s1, $0x2  }
0xb9: {  	s3 =	sand.u32 $0x4000, s31;
	s1 =	sadd.s32 s1, s30  }
0xba: {  	s0 =	sor.u32 s3, s0;
	s1 =	sshll.u32 s1, $0x11  }
0xbb: {  	s0 =	sor.u32 s1, s0  }
0xbc: {  	s0 =	sadd.s32 $0x8F2B, s0  }
0xbd: {  	[sflag:s0] =	ssyncadd.remote.s32 $0x1  }
0xbe: {  	_ =	sfence.sel $0xFFFF  }
0xbf: {  	[dreg:$0x0] =	wrdreg $0xFFFFFFFF;
	(pc) =	sbr.abs _section_cstart, $3  }
0xc0: {  	[dreg:$0x1] =	wrdreg $0xFFFFFFFF  }
0xc1: {  	_ =	task.clear_ibuf [dreg:s6], $0x2FFFF;
	_ =	strace $0x9FFFFFFF  }
0xc2: {  	(tm) =	ssettm $0x7FFFFFFF  }
0xc3: {  	_ =	shalt  }
tec
execute0_lowered:
.L_overlay_start_1:
0x0: {  	(tag) =	ssettag $0x1  }
0x1: {  	s1 =	srdreg.scid;
	s6 =	rddreg [dreg:$0x0]  }
0x2: {  	s0 =	stileid.u32;
	s2 =	rddreg [dreg:$0x1];
	s3 =	simm.s32 $0x0  }
0x3: {  	s13 =	simm.s32 $0x2800;
	s14 =	simm.s32 $0x80;
	s15 =	simm.s32 $0x5000  }
0x4: {  	s16 =	simm.s32 $0x1;
	s17 =	simm.s32 $0x0;
	s7 =	sand.u32 $0x1, s1  }
0x5: {  	s26 =	sshll.u32 s0, $0x1;
	s1 =	rddreg [dreg:$0x2];
	s8 =	smul.u32 $0x2780, s0  }
0x6: {  	[smem:$0x7FF] =	sst s3;
	s11 =	smul.u32 $0x4F000, s0;
	s31 =	sshll.u32 s0, $0x6  }
0x7: {  	s4 =	sor.u32 s7, s26;
	_ =	strace $0x80000050;
	s9 =	smul.u32 $0x27800, s7  }
0x8: {  	s7 =	ssub.s32 $0x2, s7;
	s5 =	smul.u32 $0x500, s4;
	s4 =	sadd.s32 $0x6800, s6  }
0x9: {  	s28 =	sshrl.u32 s7, $0x1;
	s29 =	sshrl.u32 s11, $0x2;
	s8 =	sadd.s32 s8, s9  }
0xa: {  	s30 =	ssub.s32 s7, s28;
	s12 =	sadd.s32 s29, s2;
	s10 =	sadd.s32 s5, s6  }
0xb: {  	s5 =	sadd.s32 $0x37A00, s6;
	s9 =	sadd.s32 s8, s6;
	s6 =	sor.u32 $0x1C02, s31  }
0xc: {  	s11 =	sshrl.u32 s12, $0x3;
	s12 =	simm.s32 $0x2;
	s7 =	sadd.s32 $0x2DA00, s10  }
0xd: {  	s8 =	sadd.s32 $0x7C600, s10;
	s9 =	sadd.s32 $0x86600, s9;
	s10 =	smax.u32 s30, $0x1  }
.LBB2_1:
0xe: {  	[spmem:s11], [sflag:s6] =	dma.local [hbm:s5], $0x2780  }
0xf: {  	_ =	swait.ge [sflag:s12], $0x2780  }
0x10: {  	[sflag:s12] =	ssyncset.done $0x0  }
0x11: {  	[sflag:s12] =	ssyncadd.s32 $0xFFFFD880  }
0x12: {  	[tilespmem:s3], [sflag:$0x2] =	stream.linear.gather [hbm4b:s7+s3], $0x2780, $0x38;
	[tilespmem:$0x1CC00] =	vst v63  }
0x13: {  	_ =	swait.ge [sflag:s12], $0x2780  }
0x14: {  	[sflag:s12] =	ssyncset.done $0x0  }
0x15: {  	[sflag:s12] =	ssyncadd.s32 $0xFFFFD880  }
0x16: {  	[tilespmem:s13], [sflag:$0x2] =	stream.linear.gather [hbm4b:s8+s3], $0x2780, $0x38;
	[tilespmem:$0x1CC00] =	vst v63  }
0x17: {  	_ =	swait.ge [sflag:s12], $0x2780  }
0x18: {  	[sflag:s12] =	ssyncset.done $0x0  }
0x19: {  	[sflag:s12] =	ssyncadd.s32 $0xFFFFD880  }
0x1a: {  	s18 =	simm.s32 $0x0;
	[bflag:$0x0] =	sbarrier.arrive $0xFFFF  }
0x1b: {  	[tilespmem:s15], [sflag:$0x1] =	stream.indirect.gather [hbm4b:s4+s14], $0x80, s18, s14, $0xb8;
	[tilespmem:$0x1CC00] =	vst v63  }
0x1c: {  	_ =	swait.ge [sflag:s16], $0x4000  }
0x1d: {  	[sflag:s16] =	ssyncset.done $0x0  }
0x1e: {  	s31 =	simm.s32 $0x2800;
	[sflag:s16] =	ssyncadd.s32 $0xFFFFC000  }
0x1f: {  	[spmem:s2] =	stream.indirect.scatter.add.f32 [tilespmem:s15], [sflag:$0x2], $0x80, s31, s14, $0xb8;
	[tilespmem:$0x1CC00] =	vst v63  }
0x20: {  	_ =	swait.ge [sflag:s12], $0x4000  }
0x21: {  	s19 =	simm.s32 $0x400;
	s18 =	simm.s32 $0x200;
	[sflag:s12] =	ssyncset.done $0x0  }
.LBB2_2:
0x22: {  	s20 =	sshra.s32 s18, $0x2  }
0x23: {  	[sflag:s12] =	ssyncadd.s32 $0xFFFFC000;
	s18 =	smov.u32 s19;
	s21 =	sadd.s32 $0x200, s19  }
0x24: {  	[tilespmem:s15], [sflag:$0x1] =	stream.indirect.gather [hbm4b:s4+s14], $0x80, s20, s14, $0xb8;
	[tilespmem:$0x1CC00] =	vst v63  }
0x25: {  	p0 =	sne.s32 s19, $0x9C00;
	_ =	swait.ge [sflag:s16], $0x4000  }
.Ltmp0:
0x26: {  	[sflag:s16] =	ssyncset.done $0x0;
	(pc) =	sbr.rel @p0 .LBB2_2-.Ltmp0, $4  }
0x27: {  	s19 =	sadd.s32 $0x2800, s20;
	[sflag:s16] =	ssyncadd.s32 $0xFFFFC000  }
0x28: {  	[spmem:s2] =	stream.indirect.scatter.add.f32 [tilespmem:s15], [sflag:$0x2], $0x80, s19, s14, $0xb8;
	[tilespmem:$0x1CC00] =	vst v63  }
0x29: {  	_ =	swait.ge [sflag:s12], $0x4000  }
0x2a: {  	s19 =	smov.u32 s21;
	[sflag:s12] =	ssyncset.done $0x0  }
0x2b: {  	s18 =	sshra.s32 s18, $0x2;
	[sflag:s12] =	ssyncadd.s32 $0xFFFFC000  }
0x2c: {  	[tilespmem:s15], [sflag:$0x1] =	stream.indirect.gather [hbm4b:s4+s14], $0x80, s18, s14, $0xb8;
	[tilespmem:$0x1CC00] =	vst v63  }
0x2d: {  	_ =	swait.ge [sflag:s16], $0x4000  }
0x2e: {  	[sflag:s16] =	ssyncset.done $0x0  }
0x2f: {  	s18 =	sadd.s32 $0x2800, s18;
	[sflag:s16] =	ssyncadd.s32 $0xFFFFC000  }
0x30: {  	[spmem:s2] =	stream.indirect.scatter.add.f32 [tilespmem:s15], [sflag:$0x2], $0x80, s18, s14, $0xb8;
	[tilespmem:$0x1CC00] =	vst v63  }
0x31: {  	_ =	swait.ge [sflag:s12], $0x4000  }
0x32: {  	s17 =	sadd.s32 $0x1, s17;
	[sflag:s12] =	ssyncset.done $0x0  }
0x33: {  	p0 =	sne.s32 s17, s10;
	[sflag:s12] =	ssyncadd.s32 $0xFFFFC000  }
.Ltmp1:
0x34: {  	[bflag:$0x0] =	sbarrier.arrive $0xFFFF;
	(pc) =	sbr.rel @p0 .LBB2_1-.Ltmp1, $4  }
0x35: {  	[hbm:s9], [sflag:s6] =	dma.local [spmem:s11], $0x2780  }
0x36: {  	_ =	swait.ge [sflag:s12], $0x2780  }
0x37: {  	[sflag:s12] =	ssyncset.done $0x0  }
0x38: {  	[sflag:s12] =	ssyncadd.s32 $0xFFFFD880  }
0x39: {  	_ =	sfence.sel $0x180000  }
0x3a: {  	[bflag:$0x0] =	sbarrier.arrive $0xFFFF  }
0x3b: {  	p0 =	sne.s32 s0, $0x0;
	_ =	strace $0x90000050  }
0x3c: {  	s0 =	sadd.s32 @!p0 $0x100000, s1;
	[bflag:$0x2] =	sbarrier.arrive $0xFFFF  }
0x3d: {  	[sflag:s0] =	ssyncadd.tile.s32 @!p0 $0x1;
	_ =	shalt  }
.Lfunc_end2:
_tile_overlayer_lowered:
.L_overlay_start_2:
0x3e: {  	(tag) =	ssettag $0x2  }
0x3f: {  	s0 =	rddreg [dreg:$0x0];
	s2 =	stileid.u32  }
0x40: {  	s1 =	rddreg [dreg:$0x1];
	p0 =	sne.s32 s2, $0x0  }
0x41: {  	s3 =	rddreg [dreg:$0x2];
	[bflag:$0x3] =	sbarrier.arrive $0xFFFF;
	s2 =	simm.s32 @!p0 $0x1C02  }
0x42: {  	[timem:s3], [sflag:s2] =	dma.local @!p0 [hbm:s0], s1  }
0x43: {  	s0 =	simm.s32 @!p0 $0x2  }
0x44: {  	_ =	swait.ge @!p0 [sflag:s0], s1  }
0x45: {  	s1 =	ssub.s32 @!p0 $0x0, s1;
	[sflag:s0] =	ssyncset.done @!p0 $0x0  }
0x46: {  	[sflag:s0] =	ssyncadd.s32 @!p0 s1  }
0x47: {  	[bflag:$0x3] =	sbarrier.arrive $0xFFFF  }
0x48: {  	_ =	shalt  }

// kernel: kernel.20.cloned.1.call-start
scs
__scs_entry_jumppad:
0x0: {  	(pc) =	sbr.rel $0x88, $3  }
0x1: {  	(tag) =	ssettag $0x0;
	lr =	simm.s32 $0x1  }
0x2: {  	[smem:$0x3F8D] =	sst lr;
	_ =	strace $0xD0000000  }
0x3: {  	_ = 	snop  }
0x4: {  	_ = 	snop  }
0x5: {  	_ = 	snop  }
0x6: {  	_ = 	snop  }
0x7: {  	_ = 	snop  }
__scs_overlays_trampoline_lowered:
0x8: {  	[smem:$0x3F9C] =	sst s0  }
0x9: {  	[smem:$0x3F9D] =	sst s1  }
0xa: {  	[smem:$0x3F9E] =	sst s2  }
0xb: {  	[smem:$0x3F9F] =	sst s3  }
0xc: {  	[smem:$0x3FA0] =	sst s4  }
0xd: {  	[smem:$0x3FA1] =	sst s5  }
0xe: {  	[smem:$0x3FA2] =	sst s6  }
0xf: {  	[smem:$0x3FA3] =	sst s7  }
0x10: {  	[smem:$0x3FA4] =	sst s8  }
0x11: {  	[smem:$0x3FA5] =	sst s9;
	s0 =	simm.s32 @!p0 $0x0  }
0x12: {  	s1 =	sld [smem:$0x3F8B];
	s0 =	simm.s32 @p0 $0x1  }
0x13: {  	[smem:$0x3FA6] =	sst s0;
	s0 =	simm.s32 @!p1 $0x0  }
0x14: {  	s2 =	sld [smem:$0x3F8A];
	s0 =	simm.s32 @p1 $0x1  }
0x15: {  	[smem:$0x3FA7] =	sst s0;
	s0 =	simm.s32 @!p2 $0x0  }
0x16: {  	s3 =	sld [smem:$0x3FDB];
	s0 =	simm.s32 @p2 $0x1  }
0x17: {  	s4 =	simm.s32 $0x1BF5;
	[smem:$0x3FA9] =	sst s0  }
0x18: {  	s0 =	sld [smem:$0x3F8C];
	_ =	swait.ge [sflag:s4], $0x0  }
0x19: {  	s7 =	sld [smem:$0x3F8D]  }
0x1a: {  	s8 =	sadd.s32 $0xFFFFE003, lr  }
0x1b: {  	s9 =	sadd.s32 $0xFFFFFEF7, lr;
	s5 =	simm.s32 $0xFFFFFFFF;
	p2 =	slt.u32 s8, $0xFFFFF086  }
0x1c: {  	p1 =	slt.u32 s9, $0xF7A;
	s5 =	simm.s32 @!p2 $0x0  }
0x1d: {  	s5 =	simm.s32 @p1 $0x1;
	p0 =	seq.s32 s7, s2  }
0x1e: {  	s7 =	smul.u32 @!p0 $0xF7A, s2;
	p2 =	seq.s32 @!p0 s5, $0x0  }
0x1f: {  	s9 =	smul.u32 $0xF7A, s1;
	s8 =	simm.s32 @!p0 $0x1BF5;
	p2 =	por !p2, p0  }
0x20: {  	[sflag:s8] =	ssyncset.s32 @!p0 $0xFFFFF086;
	s6 =	sadd.s32 @!p0 s3, s7;
	s7 =	simm.s32 @!p0 $0x108  }
0x21: {  	s3 =	sadd.s32 s3, s9;
	s6 =	sadd.s32 @!p0 $0x88, s6;
	s7 =	simm.s32 @p2 $0x1082  }
0x22: {  	[simem:s7], [sflag:s8] =	dma.local @!p0 [hbm:s6], $0xF7A  }
0x23: {  	s9 =	sor.u32 $0xD0000000, s2;
	s6 =	simm.s32 $0x108;
	_ =	swait.ge @!p0 [sflag:s8], $0x0  }
0x24: {  	s3 =	sadd.s32 $0x88, s3;
	s6 =	simm.s32 @!p1 $0x1082;
	[sflag:s4] =	ssyncset.s32 $0xFFFFF086  }
0x25: {  	[simem:s6], [sflag:s4] =	dma.local [hbm:s3], $0xF7A  }
0x26: {  	[smem:$0x3F8D] =	sst s1;
	(tag) =	ssettag s2;
	_ =	strace s9  }
0x27: {  	s1 =	sld [smem:$0x3F9D]  }
0x28: {  	s2 =	sld [smem:$0x3F9E]  }
0x29: {  	s4 =	sld [smem:$0x3FA0]  }
0x2a: {  	p0 =	seq.s32 s5, $0x0;
	s5 =	sld [smem:$0x3FA1]  }
0x2b: {  	s6 =	sld [smem:$0x3FA2]  }
0x2c: {  	s7 =	sld [smem:$0x3FA3]  }
0x2d: {  	s3 =	simm.s32 $0x108;
	s8 =	sld [smem:$0x3FA4]  }
0x2e: {  	s3 =	simm.s32 @!p0 $0x1082;
	s9 =	sld [smem:$0x3FA5]  }
0x2f: {  	lr =	sadd.s32 s0, s3;
	s0 =	sld [smem:$0x3F9C]  }
0x30: {  	s3 =	sld [smem:$0x3F9F]  }
0x31: {  	[smem:$0x3FA8] =	sst s10  }
0x32: {  	s10 =	sld [smem:$0x3FA6];
	_ =	sdelay $0x3  }
0x33: {  	p0 =	seq.s32 s10, $0x1;
	s10 =	sld [smem:$0x3FA8];
	_ =	sdelay $0x3  }
0x34: {  	[smem:$0x3FA8] =	sst s10  }
0x35: {  	s10 =	sld [smem:$0x3FA7];
	_ =	sdelay $0x3  }
0x36: {  	p1 =	seq.s32 s10, $0x1;
	s10 =	sld [smem:$0x3FA8];
	_ =	sdelay $0x3  }
0x37: {  	[smem:$0x3FA8] =	sst s10  }
0x38: {  	s10 =	sld [smem:$0x3FA9]  }
0x39: {  	_ = 	snop;
	(pc) =	sbr.ind lr, $3  }
0x3a: {  	_ = 	snop  }
0x3b: {  	_ = 	snop  }
0x3c: {  	p2 =	seq.s32 s10, $0x1;
	s10 =	sld [smem:$0x3FA8]  }
0x3d: {  	_ =	shalt  }
0x3e: {  	_ =	shalt  }
0x3f: {  	_ =	shalt  }
0x40: {  	_ =	shalt  }
0x41: {  	_ =	shalt  }
0x42: {  	_ =	shalt  }
0x43: {  	_ =	shalt  }
0x44: {  	_ =	shalt  }
0x45: {  	_ =	shalt  }
0x46: {  	_ =	shalt  }
0x47: {  	_ =	shalt  }
0x48: {  	_ =	shalt  }
0x49: {  	_ =	shalt  }
0x4a: {  	_ =	shalt  }
0x4b: {  	_ =	shalt  }
0x4c: {  	_ =	shalt  }
0x4d: {  	_ =	shalt  }
0x4e: {  	_ =	shalt  }
0x4f: {  	_ =	shalt  }
0x50: {  	_ =	shalt  }
0x51: {  	_ =	shalt  }
0x52: {  	_ =	shalt  }
0x53: {  	_ =	shalt  }
0x54: {  	_ =	shalt  }
0x55: {  	_ =	shalt  }
0x56: {  	_ =	shalt  }
0x57: {  	_ =	shalt  }
0x58: {  	_ =	shalt  }
0x59: {  	_ =	shalt  }
0x5a: {  	_ =	shalt  }
0x5b: {  	_ =	shalt  }
0x5c: {  	_ =	shalt  }
0x5d: {  	_ =	shalt  }
0x5e: {  	_ =	shalt  }
0x5f: {  	_ =	shalt  }
0x60: {  	_ =	shalt  }
0x61: {  	_ =	shalt  }
0x62: {  	_ =	shalt  }
0x63: {  	_ =	shalt  }
0x64: {  	_ =	shalt  }
0x65: {  	_ =	shalt  }
0x66: {  	_ =	shalt  }
0x67: {  	_ =	shalt  }
0x68: {  	_ =	shalt  }
0x69: {  	_ =	shalt  }
0x6a: {  	_ =	shalt  }
0x6b: {  	_ =	shalt  }
0x6c: {  	_ =	shalt  }
0x6d: {  	_ =	shalt  }
0x6e: {  	_ =	shalt  }
0x6f: {  	_ =	shalt  }
0x70: {  	_ =	shalt  }
0x71: {  	_ =	shalt  }
0x72: {  	_ =	shalt  }
0x73: {  	_ =	shalt  }
0x74: {  	_ =	shalt  }
0x75: {  	_ =	shalt  }
0x76: {  	_ =	shalt  }
0x77: {  	_ =	shalt  }
0x78: {  	_ =	shalt  }
0x79: {  	_ =	shalt  }
0x7a: {  	_ =	shalt  }
0x7b: {  	_ =	shalt  }
0x7c: {  	_ =	shalt  }
0x7d: {  	_ =	shalt  }
0x7e: {  	_ =	shalt  }
0x7f: {  	_ =	shalt  }
0x80: {  	_ =	shalt  }
0x81: {  	_ =	shalt  }
0x82: {  	_ =	shalt  }
0x83: {  	_ =	shalt  }
0x84: {  	_ =	shalt  }
0x85: {  	_ =	shalt  }
0x86: {  	_ =	shalt  }
0x87: {  	_ =	shalt  }
.Lfunc_end0:
.L_simem_size_0:
called_computation.4_lowered:
.L_overlay_start_0:
0x88: {  	s2 =	sld [smem:$0x3FD9]  }
0x89: {  	s3 =	sld [smem:$0x3FFE];
	_ =	sdelay $0x1  }
0x8a: {  	s1 =	srdreg.scid  }
0x8b: {  	s0 =	sand.u32 $0x1, s1  }
0x8c: {  	s16 =	sshll.u32 s0, $0xA;
	s2 =	sadd.s32 s3, s2  }
0x8d: {  	s2 =	sadd.s32 s2, s16  }
0x8e: {  	[smem:$0x3FB4] =	sst s2  }
0x8f: {  	_ = 	snop  }
0x90: {  	(tm) =	ssettm $0x1  }
0x91: {  	s17 =	sld [smem:$0x3FFB];
	_ =	sdelay $0x3  }
0x92: {  	_ =	strace s17  }
0x93: {  	s2 =	sld [smem:$0x3FFC];
	_ =	sdelay $0x3  }
0x94: {  	_ =	strace s2  }
0x95: {  	s2 =	sld [smem:$0x3FFD];
	_ =	sdelay $0x3  }
0x96: {  	_ =	strace s2  }
0x97: {  	_ =	strace $0x8FFFFFFF  }
0x98: {  	s18 =	sld [smem:$0x3FDB];
	_ =	sdelay $0x1  }
0x99: {  	s19 =	simm.s32 $_scs_section_size  }
0x9a: {  	s4 =	simm.s32 $_size__tile_overlayer_lowered;
	s5 =	simm.s32 $_tile_overlayer_lowered  }
0x9b: {  	s22 =	simm.s32 $0x1BFF;
	s21 =	sshll.u32 s5, $0x1;
	s2 =	sadd.s32 s19, s18  }
0x9c: {  	s6 =	simm.s32 $0x0;
	s20 =	sshll.u32 s4, $0x1;
	s4 =	sadd.s32 s21, s2  }
0x9d: {  	[timem:s6], [sflag:s22] =	dma.local [hbm:s4], s20  }
0x9e: {  	_ =	swait.ge [sflag:s22], s20  }
0x9f: {  	s3 =	ssub.s32 $0x0, s20;
	[sflag:s22] =	ssyncset.done $0x0  }
0xa0: {  	[sflag:s22] =	ssyncadd.s32 s3;
	_ =	sdelay $0x1  }
0xa1: {  	s23 =	simm.s32 $0x1B8B  }
0xa2: {  	_ =	swait.ge [sflag:s23], $0x1  }
0xa3: {  	[sflag:s23] =	ssyncset.done $0x0  }
0xa4: {  	s25 =	simm.s32 $0x1B8E;
	s24 =	sld [smem:$0x3FFE];
	[sflag:s23] =	ssyncadd.s32 $0xFFFFFFFF  }
0xa5: {  	s26 =	simm.s32 $execute0_lowered;
	[smem:$0x3FD2] =	sst s25  }
0xa6: {  	s4 =	sshll.u32 s26, $0x1;
	_ =	strace $0x80000052;
	[dreg:$0x1] =	wrdreg $0xFFFFFFFF  }
0xa7: {  	s28 =	simm.s32 $_size_execute0_lowered;
	s2 =	sadd.s32 s2, s4;
	[dreg:$0x0] =	wrdreg $0x0  }
0xa8: {  	s4 =	sshll.u32 s28, $0x1;
	[dreg:$0x2] =	wrdreg s2  }
0xa9: {  	[dreg:$0x3] =	wrdreg s4  }
0xaa: {  	[dreg:$0x4] =	wrdreg $0xC0  }
0xab: {  	_ =	task [dreg:s6], $0x5FFFF  }
0xac: {  	[dreg:$0x1] =	wrdreg $0xFFFFFFFF  }
0xad: {  	[dreg:$0x0] =	wrdreg $0x60  }
0xae: {  	[dreg:$0x2] =	wrdreg s24  }
0xaf: {  	[dreg:$0x3] =	wrdreg $0x90000  }
0xb0: {  	[dreg:$0x4] =	wrdreg $0x9  }
0xb1: {  	_ =	task.clear_ibuf [dreg:s6], $0x5FFFF;
	_ =	strace $0x90000052  }
0xb2: {  	s29 =	simm.s32 $0x9;
	_ =	strace $0x80000054  }
0xb3: {  	_ =	swait.ge [sflag:s29], $0x1  }
0xb4: {  	[sflag:s29] =	ssyncadd.s32 $0xFFFFFFFF  }
0xb5: {  	_ =	strace $0x90000054  }
0xb6: {  	_ =	sfence  }
0xb7: {  	s30 =	sld [smem:$0x0];
	_ =	sdelay $0x2  }
0xb8: {  	s31 =	sshll.u32 s1, $0xD;
	s1 =	sshrl.u32 s1, $0x2  }
0xb9: {  	s3 =	sand.u32 $0x4000, s31;
	s1 =	sadd.s32 s1, s30  }
0xba: {  	s0 =	sor.u32 s3, s0;
	s1 =	sshll.u32 s1, $0x11  }
0xbb: {  	s0 =	sor.u32 s1, s0  }
0xbc: {  	s0 =	sadd.s32 $0x8F2B, s0  }
0xbd: {  	[sflag:s0] =	ssyncadd.remote.s32 $0x1  }
0xbe: {  	_ =	sfence.sel $0xFFFF  }
0xbf: {  	[dreg:$0x0] =	wrdreg $0xFFFFFFFF;
	(pc) =	sbr.abs _section_cstart, $3  }
0xc0: {  	[dreg:$0x1] =	wrdreg $0xFFFFFFFF  }
0xc1: {  	_ =	task.clear_ibuf [dreg:s6], $0x2FFFF;
	_ =	strace $0x9FFFFFFF  }
0xc2: {  	(tm) =	ssettm $0x7FFFFFFF  }
0xc3: {  	_ =	shalt  }
tec
execute0_lowered:
.L_overlay_start_1:
0x0: {  	(tag) =	ssettag $0x1  }
0x1: {  	s1 =	srdreg.scid;
	s6 =	rddreg [dreg:$0x0]  }
0x2: {  	s0 =	stileid.u32;
	s2 =	rddreg [dreg:$0x1];
	s3 =	simm.s32 $0x0  }
0x3: {  	s13 =	simm.s32 $0x2800;
	s14 =	simm.s32 $0x80;
	s15 =	simm.s32 $0x5000  }
0x4: {  	s16 =	simm.s32 $0x1;
	s17 =	simm.s32 $0x0;
	s7 =	sand.u32 $0x1, s1  }
0x5: {  	s26 =	sshll.u32 s0, $0x1;
	s1 =	rddreg [dreg:$0x2];
	s8 =	smul.u32 $0x2780, s0  }
0x6: {  	[smem:$0x7FF] =	sst s3;
	s11 =	smul.u32 $0x4F000, s0;
	s31 =	sshll.u32 s0, $0x6  }
0x7: {  	s4 =	sor.u32 s7, s26;
	_ =	strace $0x80000053;
	s9 =	smul.u32 $0x27800, s7  }
0x8: {  	s7 =	ssub.s32 $0x2, s7;
	s5 =	smul.u32 $0x500, s4;
	s4 =	sadd.s32 $0x6800, s6  }
0x9: {  	s28 =	sshrl.u32 s7, $0x1;
	s29 =	sshrl.u32 s11, $0x2;
	s8 =	sadd.s32 s8, s9  }
0xa: {  	s30 =	ssub.s32 s7, s28;
	s12 =	sadd.s32 s29, s2;
	s10 =	sadd.s32 s5, s6  }
0xb: {  	s5 =	sadd.s32 $0x37A00, s6;
	s9 =	sadd.s32 s8, s6;
	s6 =	sor.u32 $0x1C02, s31  }
0xc: {  	s11 =	sshrl.u32 s12, $0x3;
	s12 =	simm.s32 $0x2;
	s7 =	sadd.s32 $0x2DA00, s10  }
0xd: {  	s8 =	sadd.s32 $0x7C600, s10;
	s9 =	sadd.s32 $0x86600, s9;
	s10 =	smax.u32 s30, $0x1  }
.LBB2_1:
0xe: {  	[spmem:s11], [sflag:s6] =	dma.local [hbm:s5], $0x2780  }
0xf: {  	_ =	swait.ge [sflag:s12], $0x2780  }
0x10: {  	[sflag:s12] =	ssyncset.done $0x0  }
0x11: {  	[sflag:s12] =	ssyncadd.s32 $0xFFFFD880  }
0x12: {  	[tilespmem:s3], [sflag:$0x2] =	stream.linear.gather [hbm4b:s7+s3], $0x2780, $0x38;
	[tilespmem:$0x1CC00] =	vst v63  }
0x13: {  	_ =	swait.ge [sflag:s12], $0x2780  }
0x14: {  	[sflag:s12] =	ssyncset.done $0x0  }
0x15: {  	[sflag:s12] =	ssyncadd.s32 $0xFFFFD880  }
0x16: {  	[tilespmem:s13], [sflag:$0x2] =	stream.linear.gather [hbm4b:s8+s3], $0x2780, $0x38;
	[tilespmem:$0x1CC00] =	vst v63  }
0x17: {  	_ =	swait.ge [sflag:s12], $0x2780  }
0x18: {  	[sflag:s12] =	ssyncset.done $0x0  }
0x19: {  	[sflag:s12] =	ssyncadd.s32 $0xFFFFD880  }
0x1a: {  	s18 =	simm.s32 $0x0;
	[bflag:$0x0] =	sbarrier.arrive $0xFFFF  }
0x1b: {  	[tilespmem:s15], [sflag:$0x1] =	stream.indirect.gather [hbm4b:s4+s14], $0x80, s18, s14, $0xb8;
	[tilespmem:$0x1CC00] =	vst v63  }
0x1c: {  	_ =	swait.ge [sflag:s16], $0x4000  }
0x1d: {  	[sflag:s16] =	ssyncset.done $0x0  }
0x1e: {  	s31 =	simm.s32 $0x2800;
	[sflag:s16] =	ssyncadd.s32 $0xFFFFC000  }
0x1f: {  	[spmem:s2] =	stream.indirect.scatter.add.f32 [tilespmem:s15], [sflag:$0x2], $0x80, s31, s14, $0xb8;
	[tilespmem:$0x1CC00] =	vst v63  }
0x20: {  	_ =	swait.ge [sflag:s12], $0x4000  }
0x21: {  	s19 =	simm.s32 $0x400;
	s18 =	simm.s32 $0x200;
	[sflag:s12] =	ssyncset.done $0x0  }
.LBB2_2:
0x22: {  	s20 =	sshra.s32 s18, $0x2  }
0x23: {  	[sflag:s12] =	ssyncadd.s32 $0xFFFFC000;
	s18 =	smov.u32 s19;
	s21 =	sadd.s32 $0x200, s19  }
0x24: {  	[tilespmem:s15], [sflag:$0x1] =	stream.indirect.gather [hbm4b:s4+s14], $0x80, s20, s14, $0xb8;
	[tilespmem:$0x1CC00] =	vst v63  }
0x25: {  	p0 =	sne.s32 s19, $0x9C00;
	_ =	swait.ge [sflag:s16], $0x4000  }
.Ltmp0:
0x26: {  	[sflag:s16] =	ssyncset.done $0x0;
	(pc) =	sbr.rel @p0 .LBB2_2-.Ltmp0, $4  }
0x27: {  	s19 =	sadd.s32 $0x2800, s20;
	[sflag:s16] =	ssyncadd.s32 $0xFFFFC000  }
0x28: {  	[spmem:s2] =	stream.indirect.scatter.add.f32 [tilespmem:s15], [sflag:$0x2], $0x80, s19, s14, $0xb8;
	[tilespmem:$0x1CC00] =	vst v63  }
0x29: {  	_ =	swait.ge [sflag:s12], $0x4000  }
0x2a: {  	s19 =	smov.u32 s21;
	[sflag:s12] =	ssyncset.done $0x0  }
0x2b: {  	s18 =	sshra.s32 s18, $0x2;
	[sflag:s12] =	ssyncadd.s32 $0xFFFFC000  }
0x2c: {  	[tilespmem:s15], [sflag:$0x1] =	stream.indirect.gather [hbm4b:s4+s14], $0x80, s18, s14, $0xb8;
	[tilespmem:$0x1CC00] =	vst v63  }
0x2d: {  	_ =	swait.ge [sflag:s16], $0x4000  }
0x2e: {  	[sflag:s16] =	ssyncset.done $0x0  }
0x2f: {  	s18 =	sadd.s32 $0x2800, s18;
	[sflag:s16] =	ssyncadd.s32 $0xFFFFC000  }
0x30: {  	[spmem:s2] =	stream.indirect.scatter.add.f32 [tilespmem:s15], [sflag:$0x2], $0x80, s18, s14, $0xb8;
	[tilespmem:$0x1CC00] =	vst v63  }
0x31: {  	_ =	swait.ge [sflag:s12], $0x4000  }
0x32: {  	s17 =	sadd.s32 $0x1, s17;
	[sflag:s12] =	ssyncset.done $0x0  }
0x33: {  	p0 =	sne.s32 s17, s10;
	[sflag:s12] =	ssyncadd.s32 $0xFFFFC000  }
.Ltmp1:
0x34: {  	[bflag:$0x0] =	sbarrier.arrive $0xFFFF;
	(pc) =	sbr.rel @p0 .LBB2_1-.Ltmp1, $4  }
0x35: {  	[hbm:s9], [sflag:s6] =	dma.local [spmem:s11], $0x2780  }
0x36: {  	_ =	swait.ge [sflag:s12], $0x2780  }
0x37: {  	[sflag:s12] =	ssyncset.done $0x0  }
0x38: {  	[sflag:s12] =	ssyncadd.s32 $0xFFFFD880  }
0x39: {  	_ =	sfence.sel $0x180000  }
0x3a: {  	[bflag:$0x0] =	sbarrier.arrive $0xFFFF  }
0x3b: {  	p0 =	sne.s32 s0, $0x0;
	_ =	strace $0x90000053  }
0x3c: {  	s0 =	sadd.s32 @!p0 $0x100000, s1;
	[bflag:$0x2] =	sbarrier.arrive $0xFFFF  }
0x3d: {  	[sflag:s0] =	ssyncadd.tile.s32 @!p0 $0x1;
	_ =	shalt  }
.Lfunc_end2:
_tile_overlayer_lowered:
.L_overlay_start_2:
0x3e: {  	(tag) =	ssettag $0x2  }
0x3f: {  	s0 =	rddreg [dreg:$0x0];
	s2 =	stileid.u32  }
0x40: {  	s1 =	rddreg [dreg:$0x1];
	p0 =	sne.s32 s2, $0x0  }
0x41: {  	s3 =	rddreg [dreg:$0x2];
	[bflag:$0x3] =	sbarrier.arrive $0xFFFF;
	s2 =	simm.s32 @!p0 $0x1C02  }
0x42: {  	[timem:s3], [sflag:s2] =	dma.local @!p0 [hbm:s0], s1  }
0x43: {  	s0 =	simm.s32 @!p0 $0x2  }
0x44: {  	_ =	swait.ge @!p0 [sflag:s0], s1  }
0x45: {  	s1 =	ssub.s32 @!p0 $0x0, s1;
	[sflag:s0] =	ssyncset.done @!p0 $0x0  }
0x46: {  	[sflag:s0] =	ssyncadd.s32 @!p0 s1  }
0x47: {  	[bflag:$0x3] =	sbarrier.arrive $0xFFFF  }
0x48: {  	_ =	shalt  }

// kernel: kernel.23.cloned.1.call-start
scs
__scs_entry_jumppad:
0x0: {  	(pc) =	sbr.rel $0x88, $3  }
0x1: {  	(tag) =	ssettag $0x0;
	lr =	simm.s32 $0x1  }
0x2: {  	[smem:$0x3F8D] =	sst lr;
	_ =	strace $0xD0000000  }
0x3: {  	_ = 	snop  }
0x4: {  	_ = 	snop  }
0x5: {  	_ = 	snop  }
0x6: {  	_ = 	snop  }
0x7: {  	_ = 	snop  }
__scs_overlays_trampoline_lowered:
0x8: {  	[smem:$0x3F9C] =	sst s0  }
0x9: {  	[smem:$0x3F9D] =	sst s1  }
0xa: {  	[smem:$0x3F9E] =	sst s2  }
0xb: {  	[smem:$0x3F9F] =	sst s3  }
0xc: {  	[smem:$0x3FA0] =	sst s4  }
0xd: {  	[smem:$0x3FA1] =	sst s5  }
0xe: {  	[smem:$0x3FA2] =	sst s6  }
0xf: {  	[smem:$0x3FA3] =	sst s7  }
0x10: {  	[smem:$0x3FA4] =	sst s8  }
0x11: {  	[smem:$0x3FA5] =	sst s9;
	s0 =	simm.s32 @!p0 $0x0  }
0x12: {  	s1 =	sld [smem:$0x3F8B];
	s0 =	simm.s32 @p0 $0x1  }
0x13: {  	[smem:$0x3FA6] =	sst s0;
	s0 =	simm.s32 @!p1 $0x0  }
0x14: {  	s2 =	sld [smem:$0x3F8A];
	s0 =	simm.s32 @p1 $0x1  }
0x15: {  	[smem:$0x3FA7] =	sst s0;
	s0 =	simm.s32 @!p2 $0x0  }
0x16: {  	s3 =	sld [smem:$0x3FDB];
	s0 =	simm.s32 @p2 $0x1  }
0x17: {  	s4 =	simm.s32 $0x1BF5;
	[smem:$0x3FA9] =	sst s0  }
0x18: {  	s0 =	sld [smem:$0x3F8C];
	_ =	swait.ge [sflag:s4], $0x0  }
0x19: {  	s7 =	sld [smem:$0x3F8D]  }
0x1a: {  	s8 =	sadd.s32 $0xFFFFE003, lr  }
0x1b: {  	s9 =	sadd.s32 $0xFFFFFEF7, lr;
	s5 =	simm.s32 $0xFFFFFFFF;
	p2 =	slt.u32 s8, $0xFFFFF086  }
0x1c: {  	p1 =	slt.u32 s9, $0xF7A;
	s5 =	simm.s32 @!p2 $0x0  }
0x1d: {  	s5 =	simm.s32 @p1 $0x1;
	p0 =	seq.s32 s7, s2  }
0x1e: {  	s7 =	smul.u32 @!p0 $0xF7A, s2;
	p2 =	seq.s32 @!p0 s5, $0x0  }
0x1f: {  	s9 =	smul.u32 $0xF7A, s1;
	s8 =	simm.s32 @!p0 $0x1BF5;
	p2 =	por !p2, p0  }
0x20: {  	[sflag:s8] =	ssyncset.s32 @!p0 $0xFFFFF086;
	s6 =	sadd.s32 @!p0 s3, s7;
	s7 =	simm.s32 @!p0 $0x108  }
0x21: {  	s3 =	sadd.s32 s3, s9;
	s6 =	sadd.s32 @!p0 $0x88, s6;
	s7 =	simm.s32 @p2 $0x1082  }
0x22: {  	[simem:s7], [sflag:s8] =	dma.local @!p0 [hbm:s6], $0xF7A  }
0x23: {  	s9 =	sor.u32 $0xD0000000, s2;
	s6 =	simm.s32 $0x108;
	_ =	swait.ge @!p0 [sflag:s8], $0x0  }
0x24: {  	s3 =	sadd.s32 $0x88, s3;
	s6 =	simm.s32 @!p1 $0x1082;
	[sflag:s4] =	ssyncset.s32 $0xFFFFF086  }
0x25: {  	[simem:s6], [sflag:s4] =	dma.local [hbm:s3], $0xF7A  }
0x26: {  	[smem:$0x3F8D] =	sst s1;
	(tag) =	ssettag s2;
	_ =	strace s9  }
0x27: {  	s1 =	sld [smem:$0x3F9D]  }
0x28: {  	s2 =	sld [smem:$0x3F9E]  }
0x29: {  	s4 =	sld [smem:$0x3FA0]  }
0x2a: {  	p0 =	seq.s32 s5, $0x0;
	s5 =	sld [smem:$0x3FA1]  }
0x2b: {  	s6 =	sld [smem:$0x3FA2]  }
0x2c: {  	s7 =	sld [smem:$0x3FA3]  }
0x2d: {  	s3 =	simm.s32 $0x108;
	s8 =	sld [smem:$0x3FA4]  }
0x2e: {  	s3 =	simm.s32 @!p0 $0x1082;
	s9 =	sld [smem:$0x3FA5]  }
0x2f: {  	lr =	sadd.s32 s0, s3;
	s0 =	sld [smem:$0x3F9C]  }
0x30: {  	s3 =	sld [smem:$0x3F9F]  }
0x31: {  	[smem:$0x3FA8] =	sst s10  }
0x32: {  	s10 =	sld [smem:$0x3FA6];
	_ =	sdelay $0x3  }
0x33: {  	p0 =	seq.s32 s10, $0x1;
	s10 =	sld [smem:$0x3FA8];
	_ =	sdelay $0x3  }
0x34: {  	[smem:$0x3FA8] =	sst s10  }
0x35: {  	s10 =	sld [smem:$0x3FA7];
	_ =	sdelay $0x3  }
0x36: {  	p1 =	seq.s32 s10, $0x1;
	s10 =	sld [smem:$0x3FA8];
	_ =	sdelay $0x3  }
0x37: {  	[smem:$0x3FA8] =	sst s10  }
0x38: {  	s10 =	sld [smem:$0x3FA9]  }
0x39: {  	_ = 	snop;
	(pc) =	sbr.ind lr, $3  }
0x3a: {  	_ = 	snop  }
0x3b: {  	_ = 	snop  }
0x3c: {  	p2 =	seq.s32 s10, $0x1;
	s10 =	sld [smem:$0x3FA8]  }
0x3d: {  	_ =	shalt  }
0x3e: {  	_ =	shalt  }
0x3f: {  	_ =	shalt  }
0x40: {  	_ =	shalt  }
0x41: {  	_ =	shalt  }
0x42: {  	_ =	shalt  }
0x43: {  	_ =	shalt  }
0x44: {  	_ =	shalt  }
0x45: {  	_ =	shalt  }
0x46: {  	_ =	shalt  }
0x47: {  	_ =	shalt  }
0x48: {  	_ =	shalt  }
0x49: {  	_ =	shalt  }
0x4a: {  	_ =	shalt  }
0x4b: {  	_ =	shalt  }
0x4c: {  	_ =	shalt  }
0x4d: {  	_ =	shalt  }
0x4e: {  	_ =	shalt  }
0x4f: {  	_ =	shalt  }
0x50: {  	_ =	shalt  }
0x51: {  	_ =	shalt  }
0x52: {  	_ =	shalt  }
0x53: {  	_ =	shalt  }
0x54: {  	_ =	shalt  }
0x55: {  	_ =	shalt  }
0x56: {  	_ =	shalt  }
0x57: {  	_ =	shalt  }
0x58: {  	_ =	shalt  }
0x59: {  	_ =	shalt  }
0x5a: {  	_ =	shalt  }
0x5b: {  	_ =	shalt  }
0x5c: {  	_ =	shalt  }
0x5d: {  	_ =	shalt  }
0x5e: {  	_ =	shalt  }
0x5f: {  	_ =	shalt  }
0x60: {  	_ =	shalt  }
0x61: {  	_ =	shalt  }
0x62: {  	_ =	shalt  }
0x63: {  	_ =	shalt  }
0x64: {  	_ =	shalt  }
0x65: {  	_ =	shalt  }
0x66: {  	_ =	shalt  }
0x67: {  	_ =	shalt  }
0x68: {  	_ =	shalt  }
0x69: {  	_ =	shalt  }
0x6a: {  	_ =	shalt  }
0x6b: {  	_ =	shalt  }
0x6c: {  	_ =	shalt  }
0x6d: {  	_ =	shalt  }
0x6e: {  	_ =	shalt  }
0x6f: {  	_ =	shalt  }
0x70: {  	_ =	shalt  }
0x71: {  	_ =	shalt  }
0x72: {  	_ =	shalt  }
0x73: {  	_ =	shalt  }
0x74: {  	_ =	shalt  }
0x75: {  	_ =	shalt  }
0x76: {  	_ =	shalt  }
0x77: {  	_ =	shalt  }
0x78: {  	_ =	shalt  }
0x79: {  	_ =	shalt  }
0x7a: {  	_ =	shalt  }
0x7b: {  	_ =	shalt  }
0x7c: {  	_ =	shalt  }
0x7d: {  	_ =	shalt  }
0x7e: {  	_ =	shalt  }
0x7f: {  	_ =	shalt  }
0x80: {  	_ =	shalt  }
0x81: {  	_ =	shalt  }
0x82: {  	_ =	shalt  }
0x83: {  	_ =	shalt  }
0x84: {  	_ =	shalt  }
0x85: {  	_ =	shalt  }
0x86: {  	_ =	shalt  }
0x87: {  	_ =	shalt  }
.Lfunc_end0:
.L_simem_size_0:
called_computation.5_lowered:
.L_overlay_start_0:
0x88: {  	s2 =	sld [smem:$0x3FD9]  }
0x89: {  	s3 =	sld [smem:$0x3FFE];
	_ =	sdelay $0x1  }
0x8a: {  	s1 =	srdreg.scid  }
0x8b: {  	s0 =	sand.u32 $0x1, s1  }
0x8c: {  	s16 =	sshll.u32 s0, $0xA;
	s2 =	sadd.s32 s3, s2  }
0x8d: {  	s2 =	sadd.s32 s2, s16  }
0x8e: {  	[smem:$0x3FB4] =	sst s2  }
0x8f: {  	_ = 	snop  }
0x90: {  	(tm) =	ssettm $0x1  }
0x91: {  	s17 =	sld [smem:$0x3FFB];
	_ =	sdelay $0x3  }
0x92: {  	_ =	strace s17  }
0x93: {  	s2 =	sld [smem:$0x3FFC];
	_ =	sdelay $0x3  }
0x94: {  	_ =	strace s2  }
0x95: {  	s2 =	sld [smem:$0x3FFD];
	_ =	sdelay $0x3  }
0x96: {  	_ =	strace s2  }
0x97: {  	_ =	strace $0x8FFFFFFF  }
0x98: {  	s18 =	sld [smem:$0x3FDB];
	_ =	sdelay $0x1  }
0x99: {  	s19 =	simm.s32 $_scs_section_size  }
0x9a: {  	s4 =	simm.s32 $_size__tile_overlayer_lowered;
	s5 =	simm.s32 $_tile_overlayer_lowered  }
0x9b: {  	s22 =	simm.s32 $0x1BFF;
	s21 =	sshll.u32 s5, $0x1;
	s2 =	sadd.s32 s19, s18  }
0x9c: {  	s6 =	simm.s32 $0x0;
	s20 =	sshll.u32 s4, $0x1;
	s4 =	sadd.s32 s21, s2  }
0x9d: {  	[timem:s6], [sflag:s22] =	dma.local [hbm:s4], s20  }
0x9e: {  	_ =	swait.ge [sflag:s22], s20  }
0x9f: {  	s3 =	ssub.s32 $0x0, s20;
	[sflag:s22] =	ssyncset.done $0x0  }
0xa0: {  	[sflag:s22] =	ssyncadd.s32 s3;
	_ =	sdelay $0x1  }
0xa1: {  	s23 =	simm.s32 $0x1B8B  }
0xa2: {  	_ =	swait.ge [sflag:s23], $0x1  }
0xa3: {  	[sflag:s23] =	ssyncset.done $0x0  }
0xa4: {  	s25 =	simm.s32 $0x1B8E;
	s24 =	sld [smem:$0x3FFE];
	[sflag:s23] =	ssyncadd.s32 $0xFFFFFFFF  }
0xa5: {  	s26 =	simm.s32 $execute0_lowered;
	[smem:$0x3FD2] =	sst s25  }
0xa6: {  	s4 =	sshll.u32 s26, $0x1;
	_ =	strace $0x80000055;
	[dreg:$0x1] =	wrdreg $0xFFFFFFFF  }
0xa7: {  	s28 =	simm.s32 $_size_execute0_lowered;
	s2 =	sadd.s32 s2, s4;
	[dreg:$0x0] =	wrdreg $0x0  }
0xa8: {  	s4 =	sshll.u32 s28, $0x1;
	[dreg:$0x2] =	wrdreg s2  }
0xa9: {  	[dreg:$0x3] =	wrdreg s4  }
0xaa: {  	[dreg:$0x4] =	wrdreg $0xC0  }
0xab: {  	_ =	task [dreg:s6], $0x5FFFF  }
0xac: {  	[dreg:$0x1] =	wrdreg $0xFFFFFFFF  }
0xad: {  	[dreg:$0x0] =	wrdreg $0x60  }
0xae: {  	[dreg:$0x2] =	wrdreg s24  }
0xaf: {  	[dreg:$0x3] =	wrdreg $0x90000  }
0xb0: {  	[dreg:$0x4] =	wrdreg $0x9  }
0xb1: {  	_ =	task.clear_ibuf [dreg:s6], $0x5FFFF;
	_ =	strace $0x90000055  }
0xb2: {  	s29 =	simm.s32 $0x9;
	_ =	strace $0x80000057  }
0xb3: {  	_ =	swait.ge [sflag:s29], $0x1  }
0xb4: {  	[sflag:s29] =	ssyncadd.s32 $0xFFFFFFFF  }
0xb5: {  	_ =	strace $0x90000057  }
0xb6: {  	_ =	sfence  }
0xb7: {  	s30 =	sld [smem:$0x0];
	_ =	sdelay $0x2  }
0xb8: {  	s31 =	sshll.u32 s1, $0xD;
	s1 =	sshrl.u32 s1, $0x2  }
0xb9: {  	s3 =	sand.u32 $0x4000, s31;
	s1 =	sadd.s32 s1, s30  }
0xba: {  	s0 =	sor.u32 s3, s0;
	s1 =	sshll.u32 s1, $0x11  }
0xbb: {  	s0 =	sor.u32 s1, s0  }
0xbc: {  	s0 =	sadd.s32 $0x8F2B, s0  }
0xbd: {  	[sflag:s0] =	ssyncadd.remote.s32 $0x1  }
0xbe: {  	_ =	sfence.sel $0xFFFF  }
0xbf: {  	[dreg:$0x0] =	wrdreg $0xFFFFFFFF;
	(pc) =	sbr.abs _section_cstart, $3  }
0xc0: {  	[dreg:$0x1] =	wrdreg $0xFFFFFFFF  }
0xc1: {  	_ =	task.clear_ibuf [dreg:s6], $0x2FFFF;
	_ =	strace $0x9FFFFFFF  }
0xc2: {  	(tm) =	ssettm $0x7FFFFFFF  }
0xc3: {  	_ =	shalt  }
tec
execute0_lowered:
.L_overlay_start_1:
0x0: {  	(tag) =	ssettag $0x1  }
0x1: {  	s1 =	srdreg.scid;
	s6 =	rddreg [dreg:$0x0]  }
0x2: {  	s0 =	stileid.u32;
	s2 =	rddreg [dreg:$0x1];
	s3 =	simm.s32 $0x0  }
0x3: {  	s13 =	simm.s32 $0x2800;
	s14 =	simm.s32 $0x80;
	s15 =	simm.s32 $0x5000  }
0x4: {  	s16 =	simm.s32 $0x1;
	s17 =	simm.s32 $0x0;
	s7 =	sand.u32 $0x1, s1  }
0x5: {  	s26 =	sshll.u32 s0, $0x1;
	s1 =	rddreg [dreg:$0x2];
	s8 =	smul.u32 $0x2780, s0  }
0x6: {  	[smem:$0x7FF] =	sst s3;
	s11 =	smul.u32 $0x4F000, s0;
	s31 =	sshll.u32 s0, $0x6  }
0x7: {  	s4 =	sor.u32 s7, s26;
	_ =	strace $0x80000056;
	s9 =	smul.u32 $0x27800, s7  }
0x8: {  	s7 =	ssub.s32 $0x2, s7;
	s5 =	smul.u32 $0x500, s4;
	s4 =	sadd.s32 $0x6800, s6  }
0x9: {  	s28 =	sshrl.u32 s7, $0x1;
	s29 =	sshrl.u32 s11, $0x2;
	s8 =	sadd.s32 s8, s9  }
0xa: {  	s30 =	ssub.s32 s7, s28;
	s12 =	sadd.s32 s29, s2;
	s10 =	sadd.s32 s5, s6  }
0xb: {  	s5 =	sadd.s32 $0x37A00, s6;
	s9 =	sadd.s32 s8, s6;
	s6 =	sor.u32 $0x1C02, s31  }
0xc: {  	s11 =	sshrl.u32 s12, $0x3;
	s12 =	simm.s32 $0x2;
	s7 =	sadd.s32 $0x2DA00, s10  }
0xd: {  	s8 =	sadd.s32 $0x7C600, s10;
	s9 =	sadd.s32 $0x86600, s9;
	s10 =	smax.u32 s30, $0x1  }
.LBB2_1:
0xe: {  	[spmem:s11], [sflag:s6] =	dma.local [hbm:s5], $0x2780  }
0xf: {  	_ =	swait.ge [sflag:s12], $0x2780  }
0x10: {  	[sflag:s12] =	ssyncset.done $0x0  }
0x11: {  	[sflag:s12] =	ssyncadd.s32 $0xFFFFD880  }
0x12: {  	[tilespmem:s3], [sflag:$0x2] =	stream.linear.gather [hbm4b:s7+s3], $0x2780, $0x38;
	[tilespmem:$0x1CC00] =	vst v63  }
0x13: {  	_ =	swait.ge [sflag:s12], $0x2780  }
0x14: {  	[sflag:s12] =	ssyncset.done $0x0  }
0x15: {  	[sflag:s12] =	ssyncadd.s32 $0xFFFFD880  }
0x16: {  	[tilespmem:s13], [sflag:$0x2] =	stream.linear.gather [hbm4b:s8+s3], $0x2780, $0x38;
	[tilespmem:$0x1CC00] =	vst v63  }
0x17: {  	_ =	swait.ge [sflag:s12], $0x2780  }
0x18: {  	[sflag:s12] =	ssyncset.done $0x0  }
0x19: {  	[sflag:s12] =	ssyncadd.s32 $0xFFFFD880  }
0x1a: {  	s18 =	simm.s32 $0x0;
	[bflag:$0x0] =	sbarrier.arrive $0xFFFF  }
0x1b: {  	[tilespmem:s15], [sflag:$0x1] =	stream.indirect.gather [hbm4b:s4+s14], $0x80, s18, s14, $0xb8;
	[tilespmem:$0x1CC00] =	vst v63  }
0x1c: {  	_ =	swait.ge [sflag:s16], $0x4000  }
0x1d: {  	[sflag:s16] =	ssyncset.done $0x0  }
0x1e: {  	s31 =	simm.s32 $0x2800;
	[sflag:s16] =	ssyncadd.s32 $0xFFFFC000  }
0x1f: {  	[spmem:s2] =	stream.indirect.scatter.add.f32 [tilespmem:s15], [sflag:$0x2], $0x80, s31, s14, $0xb8;
	[tilespmem:$0x1CC00] =	vst v63  }
0x20: {  	_ =	swait.ge [sflag:s12], $0x4000  }
0x21: {  	s19 =	simm.s32 $0x400;
	s18 =	simm.s32 $0x200;
	[sflag:s12] =	ssyncset.done $0x0  }
.LBB2_2:
0x22: {  	s20 =	sshra.s32 s18, $0x2  }
0x23: {  	[sflag:s12] =	ssyncadd.s32 $0xFFFFC000;
	s18 =	smov.u32 s19;
	s21 =	sadd.s32 $0x200, s19  }
0x24: {  	[tilespmem:s15], [sflag:$0x1] =	stream.indirect.gather [hbm4b:s4+s14], $0x80, s20, s14, $0xb8;
	[tilespmem:$0x1CC00] =	vst v63  }
0x25: {  	p0 =	sne.s32 s19, $0x9C00;
	_ =	swait.ge [sflag:s16], $0x4000  }
.Ltmp0:
0x26: {  	[sflag:s16] =	ssyncset.done $0x0;
	(pc) =	sbr.rel @p0 .LBB2_2-.Ltmp0, $4  }
0x27: {  	s19 =	sadd.s32 $0x2800, s20;
	[sflag:s16] =	ssyncadd.s32 $0xFFFFC000  }
0x28: {  	[spmem:s2] =	stream.indirect.scatter.add.f32 [tilespmem:s15], [sflag:$0x2], $0x80, s19, s14, $0xb8;
	[tilespmem:$0x1CC00] =	vst v63  }
0x29: {  	_ =	swait.ge [sflag:s12], $0x4000  }
0x2a: {  	s19 =	smov.u32 s21;
	[sflag:s12] =	ssyncset.done $0x0  }
0x2b: {  	s18 =	sshra.s32 s18, $0x2;
	[sflag:s12] =	ssyncadd.s32 $0xFFFFC000  }
0x2c: {  	[tilespmem:s15], [sflag:$0x1] =	stream.indirect.gather [hbm4b:s4+s14], $0x80, s18, s14, $0xb8;
	[tilespmem:$0x1CC00] =	vst v63  }
0x2d: {  	_ =	swait.ge [sflag:s16], $0x4000  }
0x2e: {  	[sflag:s16] =	ssyncset.done $0x0  }
0x2f: {  	s18 =	sadd.s32 $0x2800, s18;
	[sflag:s16] =	ssyncadd.s32 $0xFFFFC000  }
0x30: {  	[spmem:s2] =	stream.indirect.scatter.add.f32 [tilespmem:s15], [sflag:$0x2], $0x80, s18, s14, $0xb8;
	[tilespmem:$0x1CC00] =	vst v63  }
0x31: {  	_ =	swait.ge [sflag:s12], $0x4000  }
0x32: {  	s17 =	sadd.s32 $0x1, s17;
	[sflag:s12] =	ssyncset.done $0x0  }
0x33: {  	p0 =	sne.s32 s17, s10;
	[sflag:s12] =	ssyncadd.s32 $0xFFFFC000  }
.Ltmp1:
0x34: {  	[bflag:$0x0] =	sbarrier.arrive $0xFFFF;
	(pc) =	sbr.rel @p0 .LBB2_1-.Ltmp1, $4  }
0x35: {  	[hbm:s9], [sflag:s6] =	dma.local [spmem:s11], $0x2780  }
0x36: {  	_ =	swait.ge [sflag:s12], $0x2780  }
0x37: {  	[sflag:s12] =	ssyncset.done $0x0  }
0x38: {  	[sflag:s12] =	ssyncadd.s32 $0xFFFFD880  }
0x39: {  	_ =	sfence.sel $0x180000  }
0x3a: {  	[bflag:$0x0] =	sbarrier.arrive $0xFFFF  }
0x3b: {  	p0 =	sne.s32 s0, $0x0;
	_ =	strace $0x90000056  }
0x3c: {  	s0 =	sadd.s32 @!p0 $0x100000, s1;
	[bflag:$0x2] =	sbarrier.arrive $0xFFFF  }
0x3d: {  	[sflag:s0] =	ssyncadd.tile.s32 @!p0 $0x1;
	_ =	shalt  }
.Lfunc_end2:
_tile_overlayer_lowered:
.L_overlay_start_2:
0x3e: {  	(tag) =	ssettag $0x2  }
0x3f: {  	s0 =	rddreg [dreg:$0x0];
	s2 =	stileid.u32  }
0x40: {  	s1 =	rddreg [dreg:$0x1];
	p0 =	sne.s32 s2, $0x0  }
0x41: {  	s3 =	rddreg [dreg:$0x2];
	[bflag:$0x3] =	sbarrier.arrive $0xFFFF;
	s2 =	simm.s32 @!p0 $0x1C02  }
0x42: {  	[timem:s3], [sflag:s2] =	dma.local @!p0 [hbm:s0], s1  }
0x43: {  	s0 =	simm.s32 @!p0 $0x2  }
0x44: {  	_ =	swait.ge @!p0 [sflag:s0], s1  }
0x45: {  	s1 =	ssub.s32 @!p0 $0x0, s1;
	[sflag:s0] =	ssyncset.done @!p0 $0x0  }
0x46: {  	[sflag:s0] =	ssyncadd.s32 @!p0 s1  }
0x47: {  	[bflag:$0x3] =	sbarrier.arrive $0xFFFF  }
0x48: {  	_ =	shalt  }

</sc_bundles>
